<compile_context>
chip_gen: v7x
topology: tpu7x:2x2x1
jax: 0.10.2.dev20260603
libtpu: 0.0.44.dev20260713+nightly
codegen_flags: <defaults>
</compile_context>

<pallas_src>
import functools

import jax
import jax.numpy as jnp
from jax import lax
from jax.experimental import pallas as pl
from jax.experimental.pallas import tpu as pltpu
from jax.experimental.pallas import tpu_sc as plsc

NUM_EMB = 1_000_000
D = 32
BATCH = 16384
N_FIELDS = 26
B_TOTAL = BATCH * N_FIELDS

NC = 2
NT = 16
NW = NC * NT
BW_ = BATCH // NW
G = 128
SB = BW_ // G
NG = N_FIELDS * SB
K = 8
NS = 16
TB = 4


def _build():
  mesh = plsc.VectorSubcoreMesh(core_axis_name="c", subcore_axis_name="s")

  @functools.partial(
      pl.kernel,
      mesh=mesh,
      out_type=jax.ShapeDtypeStruct((N_FIELDS, D // 8, BATCH // G, 8, G),
                                    jnp.float32),
      scratch_types=[
          pltpu.VMEM((N_FIELDS, BW_), jnp.int32),
          pltpu.VMEM((NS, G, D), jnp.float32),
          pltpu.VMEM((TB, D // 8, 8, G), jnp.float32),
          pltpu.SemaphoreType.DMA,
          pltpu.SemaphoreType.DMA,
      ],
      compiler_params=pltpu.CompilerParams(
          use_tc_tiling_on_sc=False, needs_layout_passes=False
      ),
  )
  def emb_kernel(table_hbm, idx_hbm, out_hbm, idx_v, rows_v, tbuf, gsem, wsem):
    wid = lax.axis_index("s") * NC + lax.axis_index("c")
    b0 = wid * BW_
    pltpu.sync_copy(idx_hbm.at[:, pl.ds(b0, BW_)], idx_v)

    iotav = lax.iota(jnp.int32, 16)

    def gather_for(g, slot):
      f = g // SB
      sb = lax.rem(g, SB)
      pltpu.async_copy(
          table_hbm.at[idx_v.at[f, pl.ds(sb * G, G)]], rows_v.at[slot], gsem
      )

    for b in range(K):
      gather_for(b, b)

    def outer(g, carry):
      s = lax.rem(g, NS)
      t = lax.rem(g, TB)
      pltpu.make_async_copy(
          table_hbm.at[pl.ds(0, G)], rows_v.at[s], gsem
      ).wait()

      nxt0 = g + K

      @pl.when(nxt0 < NG)
      def _():
        gather_for(nxt0, lax.rem(nxt0, NS))

      @pl.when(g >= TB)
      def _():
        pltpu.make_async_copy(
            tbuf.at[0], out_hbm.at[0].at[:, 0], wsem
        ).wait()

      rows = rows_v.at[s]
      tb_t = tbuf.at[t]

      def diag(d, carry2):
        cvec = lax.rem(iotav + d, D)
        cb = lax.shift_right_logical(cvec, 3)
        cr = lax.rem(cvec, 8)
        for j0 in range(0, G, 16):
          rvec = iotav + j0
          v = plsc.load_gather(rows, [rvec, cvec])
          plsc.store_scatter(tb_t, [cb, cr, rvec], v)
        return carry2

      lax.fori_loop(0, D, diag, 0)

      f = g // SB
      bbg = wid * SB + lax.rem(g, SB)
      pltpu.async_copy(tbuf.at[t], out_hbm.at[f].at[:, bbg], wsem)

      return carry

    lax.fori_loop(0, NG, outer, 0)

    for _ in range(TB):
      pltpu.make_async_copy(tbuf.at[0], out_hbm.at[0].at[:, 0], wsem).wait()

  return emb_kernel


def kernel(indices, table):
  idx = indices.T.astype(jnp.int32)
  o = _build()(table, idx)
  return o.transpose(2, 4, 0, 1, 3).reshape(BATCH, N_FIELDS, D)

# --- scband reference (transcript-rebuilt; emitter-appended) ---
"""Pipeline reference for scband-embedding-52364241273361 (READ-ONLY COPY).

The authoritative reference and input builder live on the scoring server;
editing this copy changes nothing except your own understanding.
"""

import jax, jax.numpy as jnp
import numpy as np

NUM_EMBEDDINGS = 1000000
EMBEDDING_DIM = 32
BATCH = 16384
N_FIELDS = 26


def setup_inputs(seed: int = 0) -> dict:
    key = jax.random.key(seed)
    k_idx, k_tab = jax.random.split(key)
    indices = jax.random.randint(k_idx, (BATCH, N_FIELDS), 0, NUM_EMBEDDINGS, dtype=jnp.int64 if jax.config.jax_enable_x64 else jnp.int32)
    table = jax.random.normal(k_tab, (NUM_EMBEDDINGS, EMBEDDING_DIM), dtype=jnp.float32)
    return {"indices": indices, "table": table}


def reference(indices, table):
    # Faithful nn.Embedding lookup: out[b, f, :] = table[indices[b, f], :]
    return jnp.take(table, indices, axis=0)

if __name__ == "__main__":
    import jax
    _d = setup_inputs()
    print(jax.jit(kernel)(*tuple(_d.values())))

</pallas_src>

<mosaic_0001>
#map = affine_map<(d0, d1) -> (0, 0)>
#map1 = affine_map<(d0, d1) -> (0, 0, 0, 0, 0)>
module attributes {stable_mosaic.version = 14 : i64} {
  func.func @emb_kernel(%arg0: i32, %arg1: i32, %arg2: memref<1000000x32xf32, #tpu.memory_space<hbm>>, %arg3: memref<26x16384xi32, #tpu.memory_space<hbm>>, %arg4: memref<26x4x128x8x128xf32, #tpu.memory_space<hbm>>, %arg5: memref<26x512xi32, #tpu.memory_space<vmem>>, %arg6: memref<16x128x32xf32, #tpu.memory_space<vmem>>, %arg7: memref<4x4x8x128xf32, #tpu.memory_space<vmem>>, %arg8: memref<!tpu.dma_semaphore, #tpu.memory_space<semaphore_mem>>, %arg9: memref<!tpu.dma_semaphore, #tpu.memory_space<semaphore_mem>>) attributes {dimension_semantics = [#tpu.dimension_semantics<core_parallel>, #tpu.dimension_semantics<subcore_parallel>], iteration_bounds = array<i64: 2, 16>, scalar_prefetch = 0 : i64, scratch_operands = 5 : i64, tpu.core_type = #tpu.core_type<sc_vector_subcore>, window_params = [{transform_indices = #map}, {transform_indices = #map}, {transform_indices = #map1}]} {
    %mul3A = arith.constant 2 : i32
    %mul3A_0 = arith.muli %arg1, %mul3A : i32
    %add3A = arith.addi %mul3A_0, %arg0 : i32
    %mul3A_1 = arith.constant 512 : i32
    %mul3A_2 = arith.muli %add3A, %mul3A_1 : i32
    "tpu.region"() ({
      %run_scoped3A = tpu.sem_alloc : memref<!tpu.dma_semaphore, #tpu.memory_space<semaphore_mem>>
      %dma_start3A_273 = arith.constant 0 : i32
      %dma_start3A_274 = tpu.memref_slice %arg3[%dma_start3A_273, %mul3A_2] : memref<26x16384xi32, #tpu.memory_space<hbm>> -> memref<26x512xi32, #tpu.memory_space<hbm>>
      %dma_start3A_275 = arith.constant 0 : i32
      %dma_start3A_276 = tpu.memref_slice %arg3[%dma_start3A_275, %mul3A_2] : memref<26x16384xi32, #tpu.memory_space<hbm>> -> memref<26x512xi32, #tpu.memory_space<hbm>>
      tpu.enqueue_dma source(%dma_start3A_276 : memref<26x512xi32, #tpu.memory_space<hbm>>) target(%arg5 : memref<26x512xi32, #tpu.memory_space<vmem>>) target_semaphore(%run_scoped3A : memref<!tpu.dma_semaphore, #tpu.memory_space<semaphore_mem>>)
      %dma_wait3A_277 = arith.constant 0 : i32
      %dma_wait3A_278 = tpu.memref_slice %arg3[%dma_wait3A_277, %mul3A_2] : memref<26x16384xi32, #tpu.memory_space<hbm>> -> memref<26x512xi32, #tpu.memory_space<hbm>>
      %dma_wait3A_279 = arith.constant 0 : i32
      %dma_wait3A_280 = tpu.memref_slice %arg3[%dma_wait3A_279, %mul3A_2] : memref<26x16384xi32, #tpu.memory_space<hbm>> -> memref<26x512xi32, #tpu.memory_space<hbm>>
      tpu.wait_dma2 semaphore(%run_scoped3A : memref<!tpu.dma_semaphore, #tpu.memory_space<semaphore_mem>>) src(%dma_wait3A_280 : memref<26x512xi32, #tpu.memory_space<hbm>>) dst(%arg5 : memref<26x512xi32, #tpu.memory_space<vmem>>)
      tpu.yield
    }) : () -> ()
    %iota3A = tpu.iota {dimensions = array<i32: 0>} : vector<16xi32>
    %rem3A = arith.constant 0 : i32
    %rem3A_3 = arith.constant 4 : i32
    %rem3A_4 = arith.remsi %rem3A, %rem3A_3 : i32
    %mul3A_5 = arith.constant 128 : i32
    %mul3A_6 = arith.muli %rem3A_4, %mul3A_5 : i32
    %dma_start3A = arith.constant 0 : i32
    %dma_start3A_7 = arith.constant 0 : i32
    %dma_start3A_8 = arith.constant 0 : i32
    %dma_start3A_9 = arith.constant 0 : i32
    %dma_start3A_10 = tpu.memref_slice %arg6[%dma_start3A_7, %dma_start3A_8, %dma_start3A_9] : memref<16x128x32xf32, #tpu.memory_space<vmem>> -> memref<1x128x32xf32, #tpu.memory_space<vmem>>
    %dma_start3A_11 = tpu.memref_squeeze %dma_start3A_10 : memref<1x128x32xf32, #tpu.memory_space<vmem>> -> memref<128x32xf32, #tpu.memory_space<vmem>>
    %dma_start3A_12 = tpu.memref_slice %arg5[%dma_start3A, %mul3A_6] : memref<26x512xi32, #tpu.memory_space<vmem>> -> memref<1x128xi32, #tpu.memory_space<vmem>>
    %dma_start3A_13 = tpu.memref_squeeze %dma_start3A_12 : memref<1x128xi32, #tpu.memory_space<vmem>> -> memref<128xi32, #tpu.memory_space<vmem>>
    %dma_start3A_14 = arith.constant 0 : i32
    %dma_start3A_15 = arith.constant 0 : i32
    %dma_start3A_16 = tpu.memref_slice %arg2[%dma_start3A_14, %dma_start3A_15] : memref<1000000x32xf32, #tpu.memory_space<hbm>> -> memref<1000000x32xf32, #tpu.memory_space<hbm>>
    tpu.enqueue_indirect_dma source(%dma_start3A_16 : memref<1000000x32xf32, #tpu.memory_space<hbm>>) target(%dma_start3A_11 : memref<128x32xf32, #tpu.memory_space<vmem>>) offsets(%dma_start3A_13 : memref<128xi32, #tpu.memory_space<vmem>>) semaphore(%arg8 : memref<!tpu.dma_semaphore, #tpu.memory_space<semaphore_mem>>)
    %rem3A_17 = arith.constant 1 : i32
    %rem3A_18 = arith.constant 4 : i32
    %rem3A_19 = arith.remsi %rem3A_17, %rem3A_18 : i32
    %mul3A_20 = arith.constant 128 : i32
    %mul3A_21 = arith.muli %rem3A_19, %mul3A_20 : i32
    %dma_start3A_22 = arith.constant 0 : i32
    %dma_start3A_23 = arith.constant 1 : i32
    %dma_start3A_24 = arith.constant 0 : i32
    %dma_start3A_25 = arith.constant 0 : i32
    %dma_start3A_26 = tpu.memref_slice %arg6[%dma_start3A_23, %dma_start3A_24, %dma_start3A_25] : memref<16x128x32xf32, #tpu.memory_space<vmem>> -> memref<1x128x32xf32, #tpu.memory_space<vmem>>
    %dma_start3A_27 = tpu.memref_squeeze %dma_start3A_26 : memref<1x128x32xf32, #tpu.memory_space<vmem>> -> memref<128x32xf32, #tpu.memory_space<vmem>>
    %dma_start3A_28 = tpu.memref_slice %arg5[%dma_start3A_22, %mul3A_21] : memref<26x512xi32, #tpu.memory_space<vmem>> -> memref<1x128xi32, #tpu.memory_space<vmem>>
    %dma_start3A_29 = tpu.memref_squeeze %dma_start3A_28 : memref<1x128xi32, #tpu.memory_space<vmem>> -> memref<128xi32, #tpu.memory_space<vmem>>
    %dma_start3A_30 = arith.constant 0 : i32
    %dma_start3A_31 = arith.constant 0 : i32
    %dma_start3A_32 = tpu.memref_slice %arg2[%dma_start3A_30, %dma_start3A_31] : memref<1000000x32xf32, #tpu.memory_space<hbm>> -> memref<1000000x32xf32, #tpu.memory_space<hbm>>
    tpu.enqueue_indirect_dma source(%dma_start3A_32 : memref<1000000x32xf32, #tpu.memory_space<hbm>>) target(%dma_start3A_27 : memref<128x32xf32, #tpu.memory_space<vmem>>) offsets(%dma_start3A_29 : memref<128xi32, #tpu.memory_space<vmem>>) semaphore(%arg8 : memref<!tpu.dma_semaphore, #tpu.memory_space<semaphore_mem>>)
    %rem3A_33 = arith.constant 2 : i32
    %rem3A_34 = arith.constant 4 : i32
    %rem3A_35 = arith.remsi %rem3A_33, %rem3A_34 : i32
    %mul3A_36 = arith.constant 128 : i32
    %mul3A_37 = arith.muli %rem3A_35, %mul3A_36 : i32
    %dma_start3A_38 = arith.constant 0 : i32
    %dma_start3A_39 = arith.constant 2 : i32
    %dma_start3A_40 = arith.constant 0 : i32
    %dma_start3A_41 = arith.constant 0 : i32
    %dma_start3A_42 = tpu.memref_slice %arg6[%dma_start3A_39, %dma_start3A_40, %dma_start3A_41] : memref<16x128x32xf32, #tpu.memory_space<vmem>> -> memref<1x128x32xf32, #tpu.memory_space<vmem>>
    %dma_start3A_43 = tpu.memref_squeeze %dma_start3A_42 : memref<1x128x32xf32, #tpu.memory_space<vmem>> -> memref<128x32xf32, #tpu.memory_space<vmem>>
    %dma_start3A_44 = tpu.memref_slice %arg5[%dma_start3A_38, %mul3A_37] : memref<26x512xi32, #tpu.memory_space<vmem>> -> memref<1x128xi32, #tpu.memory_space<vmem>>
    %dma_start3A_45 = tpu.memref_squeeze %dma_start3A_44 : memref<1x128xi32, #tpu.memory_space<vmem>> -> memref<128xi32, #tpu.memory_space<vmem>>
    %dma_start3A_46 = arith.constant 0 : i32
    %dma_start3A_47 = arith.constant 0 : i32
    %dma_start3A_48 = tpu.memref_slice %arg2[%dma_start3A_46, %dma_start3A_47] : memref<1000000x32xf32, #tpu.memory_space<hbm>> -> memref<1000000x32xf32, #tpu.memory_space<hbm>>
    tpu.enqueue_indirect_dma source(%dma_start3A_48 : memref<1000000x32xf32, #tpu.memory_space<hbm>>) target(%dma_start3A_43 : memref<128x32xf32, #tpu.memory_space<vmem>>) offsets(%dma_start3A_45 : memref<128xi32, #tpu.memory_space<vmem>>) semaphore(%arg8 : memref<!tpu.dma_semaphore, #tpu.memory_space<semaphore_mem>>)
    %rem3A_49 = arith.constant 3 : i32
    %rem3A_50 = arith.constant 4 : i32
    %rem3A_51 = arith.remsi %rem3A_49, %rem3A_50 : i32
    %mul3A_52 = arith.constant 128 : i32
    %mul3A_53 = arith.muli %rem3A_51, %mul3A_52 : i32
    %dma_start3A_54 = arith.constant 0 : i32
    %dma_start3A_55 = arith.constant 3 : i32
    %dma_start3A_56 = arith.constant 0 : i32
    %dma_start3A_57 = arith.constant 0 : i32
    %dma_start3A_58 = tpu.memref_slice %arg6[%dma_start3A_55, %dma_start3A_56, %dma_start3A_57] : memref<16x128x32xf32, #tpu.memory_space<vmem>> -> memref<1x128x32xf32, #tpu.memory_space<vmem>>
    %dma_start3A_59 = tpu.memref_squeeze %dma_start3A_58 : memref<1x128x32xf32, #tpu.memory_space<vmem>> -> memref<128x32xf32, #tpu.memory_space<vmem>>
    %dma_start3A_60 = tpu.memref_slice %arg5[%dma_start3A_54, %mul3A_53] : memref<26x512xi32, #tpu.memory_space<vmem>> -> memref<1x128xi32, #tpu.memory_space<vmem>>
    %dma_start3A_61 = tpu.memref_squeeze %dma_start3A_60 : memref<1x128xi32, #tpu.memory_space<vmem>> -> memref<128xi32, #tpu.memory_space<vmem>>
    %dma_start3A_62 = arith.constant 0 : i32
    %dma_start3A_63 = arith.constant 0 : i32
    %dma_start3A_64 = tpu.memref_slice %arg2[%dma_start3A_62, %dma_start3A_63] : memref<1000000x32xf32, #tpu.memory_space<hbm>> -> memref<1000000x32xf32, #tpu.memory_space<hbm>>
    tpu.enqueue_indirect_dma source(%dma_start3A_64 : memref<1000000x32xf32, #tpu.memory_space<hbm>>) target(%dma_start3A_59 : memref<128x32xf32, #tpu.memory_space<vmem>>) offsets(%dma_start3A_61 : memref<128xi32, #tpu.memory_space<vmem>>) semaphore(%arg8 : memref<!tpu.dma_semaphore, #tpu.memory_space<semaphore_mem>>)
    %rem3A_65 = arith.constant 4 : i32
    %rem3A_66 = arith.constant 4 : i32
    %rem3A_67 = arith.remsi %rem3A_65, %rem3A_66 : i32
    %mul3A_68 = arith.constant 128 : i32
    %mul3A_69 = arith.muli %rem3A_67, %mul3A_68 : i32
    %dma_start3A_70 = arith.constant 1 : i32
    %dma_start3A_71 = arith.constant 4 : i32
    %dma_start3A_72 = arith.constant 0 : i32
    %dma_start3A_73 = arith.constant 0 : i32
    %dma_start3A_74 = tpu.memref_slice %arg6[%dma_start3A_71, %dma_start3A_72, %dma_start3A_73] : memref<16x128x32xf32, #tpu.memory_space<vmem>> -> memref<1x128x32xf32, #tpu.memory_space<vmem>>
    %dma_start3A_75 = tpu.memref_squeeze %dma_start3A_74 : memref<1x128x32xf32, #tpu.memory_space<vmem>> -> memref<128x32xf32, #tpu.memory_space<vmem>>
    %dma_start3A_76 = tpu.memref_slice %arg5[%dma_start3A_70, %mul3A_69] : memref<26x512xi32, #tpu.memory_space<vmem>> -> memref<1x128xi32, #tpu.memory_space<vmem>>
    %dma_start3A_77 = tpu.memref_squeeze %dma_start3A_76 : memref<1x128xi32, #tpu.memory_space<vmem>> -> memref<128xi32, #tpu.memory_space<vmem>>
    %dma_start3A_78 = arith.constant 0 : i32
    %dma_start3A_79 = arith.constant 0 : i32
    %dma_start3A_80 = tpu.memref_slice %arg2[%dma_start3A_78, %dma_start3A_79] : memref<1000000x32xf32, #tpu.memory_space<hbm>> -> memref<1000000x32xf32, #tpu.memory_space<hbm>>
    tpu.enqueue_indirect_dma source(%dma_start3A_80 : memref<1000000x32xf32, #tpu.memory_space<hbm>>) target(%dma_start3A_75 : memref<128x32xf32, #tpu.memory_space<vmem>>) offsets(%dma_start3A_77 : memref<128xi32, #tpu.memory_space<vmem>>) semaphore(%arg8 : memref<!tpu.dma_semaphore, #tpu.memory_space<semaphore_mem>>)
    %rem3A_81 = arith.constant 5 : i32
    %rem3A_82 = arith.constant 4 : i32
    %rem3A_83 = arith.remsi %rem3A_81, %rem3A_82 : i32
    %mul3A_84 = arith.constant 128 : i32
    %mul3A_85 = arith.muli %rem3A_83, %mul3A_84 : i32
    %dma_start3A_86 = arith.constant 1 : i32
    %dma_start3A_87 = arith.constant 5 : i32
    %dma_start3A_88 = arith.constant 0 : i32
    %dma_start3A_89 = arith.constant 0 : i32
    %dma_start3A_90 = tpu.memref_slice %arg6[%dma_start3A_87, %dma_start3A_88, %dma_start3A_89] : memref<16x128x32xf32, #tpu.memory_space<vmem>> -> memref<1x128x32xf32, #tpu.memory_space<vmem>>
    %dma_start3A_91 = tpu.memref_squeeze %dma_start3A_90 : memref<1x128x32xf32, #tpu.memory_space<vmem>> -> memref<128x32xf32, #tpu.memory_space<vmem>>
    %dma_start3A_92 = tpu.memref_slice %arg5[%dma_start3A_86, %mul3A_85] : memref<26x512xi32, #tpu.memory_space<vmem>> -> memref<1x128xi32, #tpu.memory_space<vmem>>
    %dma_start3A_93 = tpu.memref_squeeze %dma_start3A_92 : memref<1x128xi32, #tpu.memory_space<vmem>> -> memref<128xi32, #tpu.memory_space<vmem>>
    %dma_start3A_94 = arith.constant 0 : i32
    %dma_start3A_95 = arith.constant 0 : i32
    %dma_start3A_96 = tpu.memref_slice %arg2[%dma_start3A_94, %dma_start3A_95] : memref<1000000x32xf32, #tpu.memory_space<hbm>> -> memref<1000000x32xf32, #tpu.memory_space<hbm>>
    tpu.enqueue_indirect_dma source(%dma_start3A_96 : memref<1000000x32xf32, #tpu.memory_space<hbm>>) target(%dma_start3A_91 : memref<128x32xf32, #tpu.memory_space<vmem>>) offsets(%dma_start3A_93 : memref<128xi32, #tpu.memory_space<vmem>>) semaphore(%arg8 : memref<!tpu.dma_semaphore, #tpu.memory_space<semaphore_mem>>)
    %rem3A_97 = arith.constant 6 : i32
    %rem3A_98 = arith.constant 4 : i32
    %rem3A_99 = arith.remsi %rem3A_97, %rem3A_98 : i32
    %mul3A_100 = arith.constant 128 : i32
    %mul3A_101 = arith.muli %rem3A_99, %mul3A_100 : i32
    %dma_start3A_102 = arith.constant 1 : i32
    %dma_start3A_103 = arith.constant 6 : i32
    %dma_start3A_104 = arith.constant 0 : i32
    %dma_start3A_105 = arith.constant 0 : i32
    %dma_start3A_106 = tpu.memref_slice %arg6[%dma_start3A_103, %dma_start3A_104, %dma_start3A_105] : memref<16x128x32xf32, #tpu.memory_space<vmem>> -> memref<1x128x32xf32, #tpu.memory_space<vmem>>
    %dma_start3A_107 = tpu.memref_squeeze %dma_start3A_106 : memref<1x128x32xf32, #tpu.memory_space<vmem>> -> memref<128x32xf32, #tpu.memory_space<vmem>>
    %dma_start3A_108 = tpu.memref_slice %arg5[%dma_start3A_102, %mul3A_101] : memref<26x512xi32, #tpu.memory_space<vmem>> -> memref<1x128xi32, #tpu.memory_space<vmem>>
    %dma_start3A_109 = tpu.memref_squeeze %dma_start3A_108 : memref<1x128xi32, #tpu.memory_space<vmem>> -> memref<128xi32, #tpu.memory_space<vmem>>
    %dma_start3A_110 = arith.constant 0 : i32
    %dma_start3A_111 = arith.constant 0 : i32
    %dma_start3A_112 = tpu.memref_slice %arg2[%dma_start3A_110, %dma_start3A_111] : memref<1000000x32xf32, #tpu.memory_space<hbm>> -> memref<1000000x32xf32, #tpu.memory_space<hbm>>
    tpu.enqueue_indirect_dma source(%dma_start3A_112 : memref<1000000x32xf32, #tpu.memory_space<hbm>>) target(%dma_start3A_107 : memref<128x32xf32, #tpu.memory_space<vmem>>) offsets(%dma_start3A_109 : memref<128xi32, #tpu.memory_space<vmem>>) semaphore(%arg8 : memref<!tpu.dma_semaphore, #tpu.memory_space<semaphore_mem>>)
    %rem3A_113 = arith.constant 7 : i32
    %rem3A_114 = arith.constant 4 : i32
    %rem3A_115 = arith.remsi %rem3A_113, %rem3A_114 : i32
    %mul3A_116 = arith.constant 128 : i32
    %mul3A_117 = arith.muli %rem3A_115, %mul3A_116 : i32
    %dma_start3A_118 = arith.constant 1 : i32
    %dma_start3A_119 = arith.constant 7 : i32
    %dma_start3A_120 = arith.constant 0 : i32
    %dma_start3A_121 = arith.constant 0 : i32
    %dma_start3A_122 = tpu.memref_slice %arg6[%dma_start3A_119, %dma_start3A_120, %dma_start3A_121] : memref<16x128x32xf32, #tpu.memory_space<vmem>> -> memref<1x128x32xf32, #tpu.memory_space<vmem>>
    %dma_start3A_123 = tpu.memref_squeeze %dma_start3A_122 : memref<1x128x32xf32, #tpu.memory_space<vmem>> -> memref<128x32xf32, #tpu.memory_space<vmem>>
    %dma_start3A_124 = tpu.memref_slice %arg5[%dma_start3A_118, %mul3A_117] : memref<26x512xi32, #tpu.memory_space<vmem>> -> memref<1x128xi32, #tpu.memory_space<vmem>>
    %dma_start3A_125 = tpu.memref_squeeze %dma_start3A_124 : memref<1x128xi32, #tpu.memory_space<vmem>> -> memref<128xi32, #tpu.memory_space<vmem>>
    %dma_start3A_126 = arith.constant 0 : i32
    %dma_start3A_127 = arith.constant 0 : i32
    %dma_start3A_128 = tpu.memref_slice %arg2[%dma_start3A_126, %dma_start3A_127] : memref<1000000x32xf32, #tpu.memory_space<hbm>> -> memref<1000000x32xf32, #tpu.memory_space<hbm>>
    tpu.enqueue_indirect_dma source(%dma_start3A_128 : memref<1000000x32xf32, #tpu.memory_space<hbm>>) target(%dma_start3A_123 : memref<128x32xf32, #tpu.memory_space<vmem>>) offsets(%dma_start3A_125 : memref<128xi32, #tpu.memory_space<vmem>>) semaphore(%arg8 : memref<!tpu.dma_semaphore, #tpu.memory_space<semaphore_mem>>)
    %scan3A = arith.constant 0 : i32
    %scan3A_129 = arith.constant 0 : i32
    %scan3A_130 = arith.constant 104 : i32
    %scan3A_131 = arith.addi %scan3A_129, %scan3A_130 : i32
    %scan3A_132 = arith.constant 1 : i32
    scf.for %scan3A_273 = %scan3A_129 to %scan3A_131 step %scan3A_132  : i32 {
      %rem3A_274 = arith.constant 16 : i32
      %rem3A_275 = arith.remsi %scan3A_273, %rem3A_274 : i32
      %rem3A_276 = arith.constant 4 : i32
      %rem3A_277 = arith.remsi %scan3A_273, %rem3A_276 : i32
      %dma_wait3A_278 = arith.constant 0 : i32
      %dma_wait3A_279 = arith.constant 0 : i32
      %dma_wait3A_280 = tpu.memref_slice %arg6[%rem3A_275, %dma_wait3A_278, %dma_wait3A_279] : memref<16x128x32xf32, #tpu.memory_space<vmem>> -> memref<1x128x32xf32, #tpu.memory_space<vmem>>
      %dma_wait3A_281 = tpu.memref_squeeze %dma_wait3A_280 : memref<1x128x32xf32, #tpu.memory_space<vmem>> -> memref<128x32xf32, #tpu.memory_space<vmem>>
      %dma_wait3A_282 = arith.constant 0 : i32
      %dma_wait3A_283 = arith.constant 0 : i32
      %dma_wait3A_284 = tpu.memref_slice %arg2[%dma_wait3A_282, %dma_wait3A_283] : memref<1000000x32xf32, #tpu.memory_space<hbm>> -> memref<128x32xf32, #tpu.memory_space<hbm>>
      %dma_wait3A_285 = arith.constant 0 : i32
      %dma_wait3A_286 = arith.constant 0 : i32
      %dma_wait3A_287 = tpu.memref_slice %arg6[%rem3A_275, %dma_wait3A_285, %dma_wait3A_286] : memref<16x128x32xf32, #tpu.memory_space<vmem>> -> memref<1x128x32xf32, #tpu.memory_space<vmem>>
      %dma_wait3A_288 = tpu.memref_squeeze %dma_wait3A_287 : memref<1x128x32xf32, #tpu.memory_space<vmem>> -> memref<128x32xf32, #tpu.memory_space<vmem>>
      %dma_wait3A_289 = arith.constant 0 : i32
      %dma_wait3A_290 = arith.constant 0 : i32
      %dma_wait3A_291 = tpu.memref_slice %arg2[%dma_wait3A_289, %dma_wait3A_290] : memref<1000000x32xf32, #tpu.memory_space<hbm>> -> memref<128x32xf32, #tpu.memory_space<hbm>>
      tpu.wait_dma2 semaphore(%arg8 : memref<!tpu.dma_semaphore, #tpu.memory_space<semaphore_mem>>) src(%dma_wait3A_291 : memref<128x32xf32, #tpu.memory_space<hbm>>) dst(%dma_wait3A_288 : memref<128x32xf32, #tpu.memory_space<vmem>>)
      %add3A_292 = arith.constant 8 : i32
      %add3A_293 = arith.addi %scan3A_273, %add3A_292 : i32
      %lt3A = arith.constant 104 : i32
      %lt3A_294 = arith.cmpi slt, %add3A_293, %lt3A : i32
      %convert_element_type3A = arith.extui %lt3A_294 : i1 to i32
      %cond3A = arith.constant 0 : i32
      %cond3A_295 = arith.cmpi ne, %convert_element_type3A, %cond3A : i32
      scf.if %cond3A_295 {
        %rem3A_360 = arith.constant 16 : i32
        %rem3A_361 = arith.remsi %add3A_293, %rem3A_360 : i32
        %jit3A_362 = arith.constant 4 : i32
        %div3A_363 = arith.divsi %add3A_293, %jit3A_362 : i32
        %sign3A_364 = arith.constant 0 : i32
        %sign3A_365 = arith.cmpi sgt, %add3A_293, %sign3A_364 : i32
        %sign3A_366 = arith.extui %sign3A_365 : i1 to i32
        %sign3A_367 = arith.constant 0 : i32
        %sign3A_368 = arith.cmpi slt, %add3A_293, %sign3A_367 : i32
        %sign3A_369 = arith.extui %sign3A_368 : i1 to i32
        %sign3A_370 = arith.subi %sign3A_366, %sign3A_369 : i32
        %sign3A_371 = arith.constant 0 : i32
        %sign3A_372 = arith.cmpi sgt, %jit3A_362, %sign3A_371 : i32
        %sign3A_373 = arith.extui %sign3A_372 : i1 to i32
        %sign3A_374 = arith.constant 0 : i32
        %sign3A_375 = arith.cmpi slt, %jit3A_362, %sign3A_374 : i32
        %sign3A_376 = arith.extui %sign3A_375 : i1 to i32
        %sign3A_377 = arith.subi %sign3A_373, %sign3A_376 : i32
        %ne3A_378 = arith.cmpi ne, %sign3A_370, %sign3A_377 : i32
        %rem3A_379 = arith.remsi %add3A_293, %jit3A_362 : i32
        %ne3A_380 = arith.constant 0 : i32
        %ne3A_381 = arith.cmpi ne, %rem3A_379, %ne3A_380 : i32
        %and3A_382 = arith.andi %ne3A_378, %ne3A_381 : i1
        %sub3A_383 = arith.constant 1 : i32
        %sub3A_384 = arith.subi %div3A_363, %sub3A_383 : i32
        %select_n3A_385 = arith.select %and3A_382, %sub3A_384, %div3A_363 : i32
        %rem3A_386 = arith.constant 4 : i32
        %rem3A_387 = arith.remsi %add3A_293, %rem3A_386 : i32
        %mul3A_388 = arith.constant 128 : i32
        %mul3A_389 = arith.muli %rem3A_387, %mul3A_388 : i32
        %dma_start3A_390 = arith.constant 0 : i32
        %dma_start3A_391 = arith.constant 0 : i32
        %dma_start3A_392 = tpu.memref_slice %arg6[%rem3A_361, %dma_start3A_390, %dma_start3A_391] : memref<16x128x32xf32, #tpu.memory_space<vmem>> -> memref<1x128x32xf32, #tpu.memory_space<vmem>>
        %dma_start3A_393 = tpu.memref_squeeze %dma_start3A_392 : memref<1x128x32xf32, #tpu.memory_space<vmem>> -> memref<128x32xf32, #tpu.memory_space<vmem>>
        %dma_start3A_394 = tpu.memref_slice %arg5[%select_n3A_385, %mul3A_389] : memref<26x512xi32, #tpu.memory_space<vmem>> -> memref<1x128xi32, #tpu.memory_space<vmem>>
        %dma_start3A_395 = tpu.memref_squeeze %dma_start3A_394 : memref<1x128xi32, #tpu.memory_space<vmem>> -> memref<128xi32, #tpu.memory_space<vmem>>
        %dma_start3A_396 = arith.constant 0 : i32
        %dma_start3A_397 = arith.constant 0 : i32
        %dma_start3A_398 = tpu.memref_slice %arg2[%dma_start3A_396, %dma_start3A_397] : memref<1000000x32xf32, #tpu.memory_space<hbm>> -> memref<1000000x32xf32, #tpu.memory_space<hbm>>
        tpu.enqueue_indirect_dma source(%dma_start3A_398 : memref<1000000x32xf32, #tpu.memory_space<hbm>>) target(%dma_start3A_393 : memref<128x32xf32, #tpu.memory_space<vmem>>) offsets(%dma_start3A_395 : memref<128xi32, #tpu.memory_space<vmem>>) semaphore(%arg8 : memref<!tpu.dma_semaphore, #tpu.memory_space<semaphore_mem>>)
      } else {
      }
      %ge3A = arith.constant 4 : i32
      %ge3A_296 = arith.cmpi sge, %scan3A_273, %ge3A : i32
      %convert_element_type3A_297 = arith.extui %ge3A_296 : i1 to i32
      %cond3A_298 = arith.constant 0 : i32
      %cond3A_299 = arith.cmpi ne, %convert_element_type3A_297, %cond3A_298 : i32
      scf.if %cond3A_299 {
        %dma_wait3A_360 = arith.constant 0 : i32
        %dma_wait3A_361 = arith.constant 0 : i32
        %dma_wait3A_362 = arith.constant 0 : i32
        %dma_wait3A_363 = arith.constant 0 : i32
        %dma_wait3A_364 = arith.constant 0 : i32
        %dma_wait3A_365 = arith.constant 0 : i32
        %dma_wait3A_366 = tpu.memref_slice %arg7[%dma_wait3A_360, %dma_wait3A_363, %dma_wait3A_364, %dma_wait3A_365] : memref<4x4x8x128xf32, #tpu.memory_space<vmem>> -> memref<1x4x8x128xf32, #tpu.memory_space<vmem>>
        %dma_wait3A_367 = tpu.memref_squeeze %dma_wait3A_366 : memref<1x4x8x128xf32, #tpu.memory_space<vmem>> -> memref<4x8x128xf32, #tpu.memory_space<vmem>>
        %dma_wait3A_368 = arith.constant 0 : i32
        %dma_wait3A_369 = arith.constant 0 : i32
        %dma_wait3A_370 = arith.constant 0 : i32
        %dma_wait3A_371 = arith.constant 0 : i32
        %dma_wait3A_372 = tpu.memref_slice %arg4[%dma_wait3A_361, %dma_wait3A_368, %dma_wait3A_369, %dma_wait3A_370, %dma_wait3A_371] : memref<26x4x128x8x128xf32, #tpu.memory_space<hbm>> -> memref<1x4x128x8x128xf32, #tpu.memory_space<hbm>>
        %dma_wait3A_373 = tpu.memref_squeeze %dma_wait3A_372 : memref<1x4x128x8x128xf32, #tpu.memory_space<hbm>> -> memref<4x128x8x128xf32, #tpu.memory_space<hbm>>
        %dma_wait3A_374 = arith.constant 0 : i32
        %dma_wait3A_375 = arith.constant 0 : i32
        %dma_wait3A_376 = arith.constant 0 : i32
        %dma_wait3A_377 = tpu.memref_slice %dma_wait3A_373[%dma_wait3A_374, %dma_wait3A_362, %dma_wait3A_375, %dma_wait3A_376] : memref<4x128x8x128xf32, #tpu.memory_space<hbm>> -> memref<4x1x8x128xf32, #tpu.memory_space<hbm>>
        %dma_wait3A_378 = tpu.memref_squeeze %dma_wait3A_377 : memref<4x1x8x128xf32, #tpu.memory_space<hbm>> -> memref<4x8x128xf32, #tpu.memory_space<hbm>>
        %dma_wait3A_379 = arith.constant 0 : i32
        %dma_wait3A_380 = arith.constant 0 : i32
        %dma_wait3A_381 = arith.constant 0 : i32
        %dma_wait3A_382 = arith.constant 0 : i32
        %dma_wait3A_383 = tpu.memref_slice %arg4[%dma_wait3A_361, %dma_wait3A_379, %dma_wait3A_380, %dma_wait3A_381, %dma_wait3A_382] : memref<26x4x128x8x128xf32, #tpu.memory_space<hbm>> -> memref<1x4x128x8x128xf32, #tpu.memory_space<hbm>>
        %dma_wait3A_384 = tpu.memref_squeeze %dma_wait3A_383 : memref<1x4x128x8x128xf32, #tpu.memory_space<hbm>> -> memref<4x128x8x128xf32, #tpu.memory_space<hbm>>
        %dma_wait3A_385 = arith.constant 0 : i32
        %dma_wait3A_386 = arith.constant 0 : i32
        %dma_wait3A_387 = arith.constant 0 : i32
        %dma_wait3A_388 = tpu.memref_slice %dma_wait3A_384[%dma_wait3A_385, %dma_wait3A_362, %dma_wait3A_386, %dma_wait3A_387] : memref<4x128x8x128xf32, #tpu.memory_space<hbm>> -> memref<4x1x8x128xf32, #tpu.memory_space<hbm>>
        %dma_wait3A_389 = tpu.memref_squeeze %dma_wait3A_388 : memref<4x1x8x128xf32, #tpu.memory_space<hbm>> -> memref<4x8x128xf32, #tpu.memory_space<hbm>>
        %dma_wait3A_390 = arith.constant 0 : i32
        %dma_wait3A_391 = arith.constant 0 : i32
        %dma_wait3A_392 = arith.constant 0 : i32
        %dma_wait3A_393 = tpu.memref_slice %arg7[%dma_wait3A_360, %dma_wait3A_390, %dma_wait3A_391, %dma_wait3A_392] : memref<4x4x8x128xf32, #tpu.memory_space<vmem>> -> memref<1x4x8x128xf32, #tpu.memory_space<vmem>>
        %dma_wait3A_394 = tpu.memref_squeeze %dma_wait3A_393 : memref<1x4x8x128xf32, #tpu.memory_space<vmem>> -> memref<4x8x128xf32, #tpu.memory_space<vmem>>
        tpu.wait_dma2 semaphore(%arg9 : memref<!tpu.dma_semaphore, #tpu.memory_space<semaphore_mem>>) src(%dma_wait3A_394 : memref<4x8x128xf32, #tpu.memory_space<vmem>>) dst(%dma_wait3A_389 : memref<4x8x128xf32, #tpu.memory_space<hbm>>)
      } else {
      }
      %scan3A_300 = arith.constant 0 : i32
      %scan3A_301 = arith.constant 0 : i32
      %scan3A_302 = arith.constant 32 : i32
      %scan3A_303 = arith.addi %scan3A_301, %scan3A_302 : i32
      %scan3A_304 = arith.constant 1 : i32
      scf.for %scan3A_360 = %scan3A_301 to %scan3A_303 step %scan3A_304  : i32 {
        %add3A_361 = vector.broadcast %scan3A_360 : i32 to vector<16xi32>
        %add3A_362 = arith.addi %iota3A, %add3A_361 : vector<16xi32>
        %rem3A_363 = arith.constant 32 : i32
        %rem3A_364 = vector.broadcast %rem3A_363 : i32 to vector<16xi32>
        %rem3A_365 = arith.remsi %add3A_362, %rem3A_364 : vector<16xi32>
        %shift_right_logical3A = arith.constant 3 : i32
        %shift_right_logical3A_366 = vector.broadcast %shift_right_logical3A : i32 to vector<16xi32>
        %shift_right_logical3A_367 = arith.shrui %rem3A_365, %shift_right_logical3A_366 : vector<16xi32>
        %rem3A_368 = arith.constant 8 : i32
        %rem3A_369 = vector.broadcast %rem3A_368 : i32 to vector<16xi32>
        %rem3A_370 = arith.remsi %rem3A_365, %rem3A_369 : vector<16xi32>
        %add3A_371 = arith.constant 0 : i32
        %add3A_372 = vector.broadcast %add3A_371 : i32 to vector<16xi32>
        %add3A_373 = arith.addi %iota3A, %add3A_372 : vector<16xi32>
        %gather3A = arith.constant 0 : i32
        %gather3A_374 = arith.constant 0 : i32
        %gather3A_375 = tpu.memref_slice %arg6[%rem3A_275, %gather3A, %gather3A_374] : memref<16x128x32xf32, #tpu.memory_space<vmem>> -> memref<1x128x32xf32, #tpu.memory_space<vmem>>
        %gather3A_376 = tpu.memref_squeeze %gather3A_375 : memref<1x128x32xf32, #tpu.memory_space<vmem>> -> memref<128x32xf32, #tpu.memory_space<vmem>>
        %gather3A_377 = tpu.vector_load_idx %gather3A_376[%add3A_373, %rem3A_365] : memref<128x32xf32, #tpu.memory_space<vmem>>[vector<16xi32>, vector<16xi32>], vector<16xf32>,
        %scatter3A = arith.constant 0 : i32
        %scatter3A_378 = arith.constant 0 : i32
        %scatter3A_379 = arith.constant 0 : i32
        %scatter3A_380 = tpu.memref_slice %arg7[%rem3A_277, %scatter3A, %scatter3A_378, %scatter3A_379] : memref<4x4x8x128xf32, #tpu.memory_space<vmem>> -> memref<1x4x8x128xf32, #tpu.memory_space<vmem>>
        %scatter3A_381 = tpu.memref_squeeze %scatter3A_380 : memref<1x4x8x128xf32, #tpu.memory_space<vmem>> -> memref<4x8x128xf32, #tpu.memory_space<vmem>>
        tpu.vector_store_idx %scatter3A_381[%shift_right_logical3A_367, %rem3A_370, %add3A_373], %gather3A_377 : memref<4x8x128xf32, #tpu.memory_space<vmem>>[vector<16xi32>, vector<16xi32>, vector<16xi32>], vector<16xf32>,
        %add3A_382 = arith.constant 16 : i32
        %add3A_383 = vector.broadcast %add3A_382 : i32 to vector<16xi32>
        %add3A_384 = arith.addi %iota3A, %add3A_383 : vector<16xi32>
        %gather3A_385 = arith.constant 0 : i32
        %gather3A_386 = arith.constant 0 : i32
        %gather3A_387 = tpu.memref_slice %arg6[%rem3A_275, %gather3A_385, %gather3A_386] : memref<16x128x32xf32, #tpu.memory_space<vmem>> -> memref<1x128x32xf32, #tpu.memory_space<vmem>>
        %gather3A_388 = tpu.memref_squeeze %gather3A_387 : memref<1x128x32xf32, #tpu.memory_space<vmem>> -> memref<128x32xf32, #tpu.memory_space<vmem>>
        %gather3A_389 = tpu.vector_load_idx %gather3A_388[%add3A_384, %rem3A_365] : memref<128x32xf32, #tpu.memory_space<vmem>>[vector<16xi32>, vector<16xi32>], vector<16xf32>,
        %scatter3A_390 = arith.constant 0 : i32
        %scatter3A_391 = arith.constant 0 : i32
        %scatter3A_392 = arith.constant 0 : i32
        %scatter3A_393 = tpu.memref_slice %arg7[%rem3A_277, %scatter3A_390, %scatter3A_391, %scatter3A_392] : memref<4x4x8x128xf32, #tpu.memory_space<vmem>> -> memref<1x4x8x128xf32, #tpu.memory_space<vmem>>
        %scatter3A_394 = tpu.memref_squeeze %scatter3A_393 : memref<1x4x8x128xf32, #tpu.memory_space<vmem>> -> memref<4x8x128xf32, #tpu.memory_space<vmem>>
        tpu.vector_store_idx %scatter3A_394[%shift_right_logical3A_367, %rem3A_370, %add3A_384], %gather3A_389 : memref<4x8x128xf32, #tpu.memory_space<vmem>>[vector<16xi32>, vector<16xi32>, vector<16xi32>], vector<16xf32>,
        %add3A_395 = arith.constant 32 : i32
        %add3A_396 = vector.broadcast %add3A_395 : i32 to vector<16xi32>
        %add3A_397 = arith.addi %iota3A, %add3A_396 : vector<16xi32>
        %gather3A_398 = arith.constant 0 : i32
        %gather3A_399 = arith.constant 0 : i32
        %gather3A_400 = tpu.memref_slice %arg6[%rem3A_275, %gather3A_398, %gather3A_399] : memref<16x128x32xf32, #tpu.memory_space<vmem>> -> memref<1x128x32xf32, #tpu.memory_space<vmem>>
        %gather3A_401 = tpu.memref_squeeze %gather3A_400 : memref<1x128x32xf32, #tpu.memory_space<vmem>> -> memref<128x32xf32, #tpu.memory_space<vmem>>
        %gather3A_402 = tpu.vector_load_idx %gather3A_401[%add3A_397, %rem3A_365] : memref<128x32xf32, #tpu.memory_space<vmem>>[vector<16xi32>, vector<16xi32>], vector<16xf32>,
        %scatter3A_403 = arith.constant 0 : i32
        %scatter3A_404 = arith.constant 0 : i32
        %scatter3A_405 = arith.constant 0 : i32
        %scatter3A_406 = tpu.memref_slice %arg7[%rem3A_277, %scatter3A_403, %scatter3A_404, %scatter3A_405] : memref<4x4x8x128xf32, #tpu.memory_space<vmem>> -> memref<1x4x8x128xf32, #tpu.memory_space<vmem>>
        %scatter3A_407 = tpu.memref_squeeze %scatter3A_406 : memref<1x4x8x128xf32, #tpu.memory_space<vmem>> -> memref<4x8x128xf32, #tpu.memory_space<vmem>>
        tpu.vector_store_idx %scatter3A_407[%shift_right_logical3A_367, %rem3A_370, %add3A_397], %gather3A_402 : memref<4x8x128xf32, #tpu.memory_space<vmem>>[vector<16xi32>, vector<16xi32>, vector<16xi32>], vector<16xf32>,
        %add3A_408 = arith.constant 48 : i32
        %add3A_409 = vector.broadcast %add3A_408 : i32 to vector<16xi32>
        %add3A_410 = arith.addi %iota3A, %add3A_409 : vector<16xi32>
        %gather3A_411 = arith.constant 0 : i32
        %gather3A_412 = arith.constant 0 : i32
        %gather3A_413 = tpu.memref_slice %arg6[%rem3A_275, %gather3A_411, %gather3A_412] : memref<16x128x32xf32, #tpu.memory_space<vmem>> -> memref<1x128x32xf32, #tpu.memory_space<vmem>>
        %gather3A_414 = tpu.memref_squeeze %gather3A_413 : memref<1x128x32xf32, #tpu.memory_space<vmem>> -> memref<128x32xf32, #tpu.memory_space<vmem>>
        %gather3A_415 = tpu.vector_load_idx %gather3A_414[%add3A_410, %rem3A_365] : memref<128x32xf32, #tpu.memory_space<vmem>>[vector<16xi32>, vector<16xi32>], vector<16xf32>,
        %scatter3A_416 = arith.constant 0 : i32
        %scatter3A_417 = arith.constant 0 : i32
        %scatter3A_418 = arith.constant 0 : i32
        %scatter3A_419 = tpu.memref_slice %arg7[%rem3A_277, %scatter3A_416, %scatter3A_417, %scatter3A_418] : memref<4x4x8x128xf32, #tpu.memory_space<vmem>> -> memref<1x4x8x128xf32, #tpu.memory_space<vmem>>
        %scatter3A_420 = tpu.memref_squeeze %scatter3A_419 : memref<1x4x8x128xf32, #tpu.memory_space<vmem>> -> memref<4x8x128xf32, #tpu.memory_space<vmem>>
        tpu.vector_store_idx %scatter3A_420[%shift_right_logical3A_367, %rem3A_370, %add3A_410], %gather3A_415 : memref<4x8x128xf32, #tpu.memory_space<vmem>>[vector<16xi32>, vector<16xi32>, vector<16xi32>], vector<16xf32>,
        %add3A_421 = arith.constant 64 : i32
        %add3A_422 = vector.broadcast %add3A_421 : i32 to vector<16xi32>
        %add3A_423 = arith.addi %iota3A, %add3A_422 : vector<16xi32>
        %gather3A_424 = arith.constant 0 : i32
        %gather3A_425 = arith.constant 0 : i32
        %gather3A_426 = tpu.memref_slice %arg6[%rem3A_275, %gather3A_424, %gather3A_425] : memref<16x128x32xf32, #tpu.memory_space<vmem>> -> memref<1x128x32xf32, #tpu.memory_space<vmem>>
        %gather3A_427 = tpu.memref_squeeze %gather3A_426 : memref<1x128x32xf32, #tpu.memory_space<vmem>> -> memref<128x32xf32, #tpu.memory_space<vmem>>
        %gather3A_428 = tpu.vector_load_idx %gather3A_427[%add3A_423, %rem3A_365] : memref<128x32xf32, #tpu.memory_space<vmem>>[vector<16xi32>, vector<16xi32>], vector<16xf32>,
        %scatter3A_429 = arith.constant 0 : i32
        %scatter3A_430 = arith.constant 0 : i32
        %scatter3A_431 = arith.constant 0 : i32
        %scatter3A_432 = tpu.memref_slice %arg7[%rem3A_277, %scatter3A_429, %scatter3A_430, %scatter3A_431] : memref<4x4x8x128xf32, #tpu.memory_space<vmem>> -> memref<1x4x8x128xf32, #tpu.memory_space<vmem>>
        %scatter3A_433 = tpu.memref_squeeze %scatter3A_432 : memref<1x4x8x128xf32, #tpu.memory_space<vmem>> -> memref<4x8x128xf32, #tpu.memory_space<vmem>>
        tpu.vector_store_idx %scatter3A_433[%shift_right_logical3A_367, %rem3A_370, %add3A_423], %gather3A_428 : memref<4x8x128xf32, #tpu.memory_space<vmem>>[vector<16xi32>, vector<16xi32>, vector<16xi32>], vector<16xf32>,
        %add3A_434 = arith.constant 80 : i32
        %add3A_435 = vector.broadcast %add3A_434 : i32 to vector<16xi32>
        %add3A_436 = arith.addi %iota3A, %add3A_435 : vector<16xi32>
        %gather3A_437 = arith.constant 0 : i32
        %gather3A_438 = arith.constant 0 : i32
        %gather3A_439 = tpu.memref_slice %arg6[%rem3A_275, %gather3A_437, %gather3A_438] : memref<16x128x32xf32, #tpu.memory_space<vmem>> -> memref<1x128x32xf32, #tpu.memory_space<vmem>>
        %gather3A_440 = tpu.memref_squeeze %gather3A_439 : memref<1x128x32xf32, #tpu.memory_space<vmem>> -> memref<128x32xf32, #tpu.memory_space<vmem>>
        %gather3A_441 = tpu.vector_load_idx %gather3A_440[%add3A_436, %rem3A_365] : memref<128x32xf32, #tpu.memory_space<vmem>>[vector<16xi32>, vector<16xi32>], vector<16xf32>,
        %scatter3A_442 = arith.constant 0 : i32
        %scatter3A_443 = arith.constant 0 : i32
        %scatter3A_444 = arith.constant 0 : i32
        %scatter3A_445 = tpu.memref_slice %arg7[%rem3A_277, %scatter3A_442, %scatter3A_443, %scatter3A_444] : memref<4x4x8x128xf32, #tpu.memory_space<vmem>> -> memref<1x4x8x128xf32, #tpu.memory_space<vmem>>
        %scatter3A_446 = tpu.memref_squeeze %scatter3A_445 : memref<1x4x8x128xf32, #tpu.memory_space<vmem>> -> memref<4x8x128xf32, #tpu.memory_space<vmem>>
        tpu.vector_store_idx %scatter3A_446[%shift_right_logical3A_367, %rem3A_370, %add3A_436], %gather3A_441 : memref<4x8x128xf32, #tpu.memory_space<vmem>>[vector<16xi32>, vector<16xi32>, vector<16xi32>], vector<16xf32>,
        %add3A_447 = arith.constant 96 : i32
        %add3A_448 = vector.broadcast %add3A_447 : i32 to vector<16xi32>
        %add3A_449 = arith.addi %iota3A, %add3A_448 : vector<16xi32>
        %gather3A_450 = arith.constant 0 : i32
        %gather3A_451 = arith.constant 0 : i32
        %gather3A_452 = tpu.memref_slice %arg6[%rem3A_275, %gather3A_450, %gather3A_451] : memref<16x128x32xf32, #tpu.memory_space<vmem>> -> memref<1x128x32xf32, #tpu.memory_space<vmem>>
        %gather3A_453 = tpu.memref_squeeze %gather3A_452 : memref<1x128x32xf32, #tpu.memory_space<vmem>> -> memref<128x32xf32, #tpu.memory_space<vmem>>
        %gather3A_454 = tpu.vector_load_idx %gather3A_453[%add3A_449, %rem3A_365] : memref<128x32xf32, #tpu.memory_space<vmem>>[vector<16xi32>, vector<16xi32>], vector<16xf32>,
        %scatter3A_455 = arith.constant 0 : i32
        %scatter3A_456 = arith.constant 0 : i32
        %scatter3A_457 = arith.constant 0 : i32
        %scatter3A_458 = tpu.memref_slice %arg7[%rem3A_277, %scatter3A_455, %scatter3A_456, %scatter3A_457] : memref<4x4x8x128xf32, #tpu.memory_space<vmem>> -> memref<1x4x8x128xf32, #tpu.memory_space<vmem>>
        %scatter3A_459 = tpu.memref_squeeze %scatter3A_458 : memref<1x4x8x128xf32, #tpu.memory_space<vmem>> -> memref<4x8x128xf32, #tpu.memory_space<vmem>>
        tpu.vector_store_idx %scatter3A_459[%shift_right_logical3A_367, %rem3A_370, %add3A_449], %gather3A_454 : memref<4x8x128xf32, #tpu.memory_space<vmem>>[vector<16xi32>, vector<16xi32>, vector<16xi32>], vector<16xf32>,
        %add3A_460 = arith.constant 112 : i32
        %add3A_461 = vector.broadcast %add3A_460 : i32 to vector<16xi32>
        %add3A_462 = arith.addi %iota3A, %add3A_461 : vector<16xi32>
        %gather3A_463 = arith.constant 0 : i32
        %gather3A_464 = arith.constant 0 : i32
        %gather3A_465 = tpu.memref_slice %arg6[%rem3A_275, %gather3A_463, %gather3A_464] : memref<16x128x32xf32, #tpu.memory_space<vmem>> -> memref<1x128x32xf32, #tpu.memory_space<vmem>>
        %gather3A_466 = tpu.memref_squeeze %gather3A_465 : memref<1x128x32xf32, #tpu.memory_space<vmem>> -> memref<128x32xf32, #tpu.memory_space<vmem>>
        %gather3A_467 = tpu.vector_load_idx %gather3A_466[%add3A_462, %rem3A_365] : memref<128x32xf32, #tpu.memory_space<vmem>>[vector<16xi32>, vector<16xi32>], vector<16xf32>,
        %scatter3A_468 = arith.constant 0 : i32
        %scatter3A_469 = arith.constant 0 : i32
        %scatter3A_470 = arith.constant 0 : i32
        %scatter3A_471 = tpu.memref_slice %arg7[%rem3A_277, %scatter3A_468, %scatter3A_469, %scatter3A_470] : memref<4x4x8x128xf32, #tpu.memory_space<vmem>> -> memref<1x4x8x128xf32, #tpu.memory_space<vmem>>
        %scatter3A_472 = tpu.memref_squeeze %scatter3A_471 : memref<1x4x8x128xf32, #tpu.memory_space<vmem>> -> memref<4x8x128xf32, #tpu.memory_space<vmem>>
        tpu.vector_store_idx %scatter3A_472[%shift_right_logical3A_367, %rem3A_370, %add3A_462], %gather3A_467 : memref<4x8x128xf32, #tpu.memory_space<vmem>>[vector<16xi32>, vector<16xi32>, vector<16xi32>], vector<16xf32>,
      }
      %scan3A_305 = arith.constant 32 : i32
      %jit3A = arith.constant 4 : i32
      %div3A = arith.divsi %scan3A_273, %jit3A : i32
      %sign3A = arith.constant 0 : i32
      %sign3A_306 = arith.cmpi sgt, %scan3A_273, %sign3A : i32
      %sign3A_307 = arith.extui %sign3A_306 : i1 to i32
      %sign3A_308 = arith.constant 0 : i32
      %sign3A_309 = arith.cmpi slt, %scan3A_273, %sign3A_308 : i32
      %sign3A_310 = arith.extui %sign3A_309 : i1 to i32
      %sign3A_311 = arith.subi %sign3A_307, %sign3A_310 : i32
      %sign3A_312 = arith.constant 0 : i32
      %sign3A_313 = arith.cmpi sgt, %jit3A, %sign3A_312 : i32
      %sign3A_314 = arith.extui %sign3A_313 : i1 to i32
      %sign3A_315 = arith.constant 0 : i32
      %sign3A_316 = arith.cmpi slt, %jit3A, %sign3A_315 : i32
      %sign3A_317 = arith.extui %sign3A_316 : i1 to i32
      %sign3A_318 = arith.subi %sign3A_314, %sign3A_317 : i32
      %ne3A = arith.cmpi ne, %sign3A_311, %sign3A_318 : i32
      %rem3A_319 = arith.remsi %scan3A_273, %jit3A : i32
      %ne3A_320 = arith.constant 0 : i32
      %ne3A_321 = arith.cmpi ne, %rem3A_319, %ne3A_320 : i32
      %and3A = arith.andi %ne3A, %ne3A_321 : i1
      %sub3A = arith.constant 1 : i32
      %sub3A_322 = arith.subi %div3A, %sub3A : i32
      %select_n3A = arith.select %and3A, %sub3A_322, %div3A : i32
      %mul3A_323 = arith.constant 4 : i32
      %mul3A_324 = arith.muli %add3A, %mul3A_323 : i32
      %rem3A_325 = arith.constant 4 : i32
      %rem3A_326 = arith.remsi %scan3A_273, %rem3A_325 : i32
      %add3A_327 = arith.addi %mul3A_324, %rem3A_326 : i32
      %dma_start3A_328 = arith.constant 0 : i32
      %dma_start3A_329 = arith.constant 0 : i32
      %dma_start3A_330 = arith.constant 0 : i32
      %dma_start3A_331 = tpu.memref_slice %arg7[%rem3A_277, %dma_start3A_328, %dma_start3A_329, %dma_start3A_330] : memref<4x4x8x128xf32, #tpu.memory_space<vmem>> -> memref<1x4x8x128xf32, #tpu.memory_space<vmem>>
      %dma_start3A_332 = tpu.memref_squeeze %dma_start3A_331 : memref<1x4x8x128xf32, #tpu.memory_space<vmem>> -> memref<4x8x128xf32, #tpu.memory_space<vmem>>
      %dma_start3A_333 = arith.constant 0 : i32
      %dma_start3A_334 = arith.constant 0 : i32
      %dma_start3A_335 = arith.constant 0 : i32
      %dma_start3A_336 = arith.constant 0 : i32
      %dma_start3A_337 = tpu.memref_slice %arg4[%select_n3A, %dma_start3A_333, %dma_start3A_334, %dma_start3A_335, %dma_start3A_336] : memref<26x4x128x8x128xf32, #tpu.memory_space<hbm>> -> memref<1x4x128x8x128xf32, #tpu.memory_space<hbm>>
      %dma_start3A_338 = tpu.memref_squeeze %dma_start3A_337 : memref<1x4x128x8x128xf32, #tpu.memory_space<hbm>> -> memref<4x128x8x128xf32, #tpu.memory_space<hbm>>
      %dma_start3A_339 = arith.constant 0 : i32
      %dma_start3A_340 = arith.constant 0 : i32
      %dma_start3A_341 = arith.constant 0 : i32
      %dma_start3A_342 = tpu.memref_slice %dma_start3A_338[%dma_start3A_339, %add3A_327, %dma_start3A_340, %dma_start3A_341] : memref<4x128x8x128xf32, #tpu.memory_space<hbm>> -> memref<4x1x8x128xf32, #tpu.memory_space<hbm>>
      %dma_start3A_343 = tpu.memref_squeeze %dma_start3A_342 : memref<4x1x8x128xf32, #tpu.memory_space<hbm>> -> memref<4x8x128xf32, #tpu.memory_space<hbm>>
      %dma_start3A_344 = arith.constant 0 : i32
      %dma_start3A_345 = arith.constant 0 : i32
      %dma_start3A_346 = arith.constant 0 : i32
      %dma_start3A_347 = arith.constant 0 : i32
      %dma_start3A_348 = tpu.memref_slice %arg4[%select_n3A, %dma_start3A_344, %dma_start3A_345, %dma_start3A_346, %dma_start3A_347] : memref<26x4x128x8x128xf32, #tpu.memory_space<hbm>> -> memref<1x4x128x8x128xf32, #tpu.memory_space<hbm>>
      %dma_start3A_349 = tpu.memref_squeeze %dma_start3A_348 : memref<1x4x128x8x128xf32, #tpu.memory_space<hbm>> -> memref<4x128x8x128xf32, #tpu.memory_space<hbm>>
      %dma_start3A_350 = arith.constant 0 : i32
      %dma_start3A_351 = arith.constant 0 : i32
      %dma_start3A_352 = arith.constant 0 : i32
      %dma_start3A_353 = tpu.memref_slice %dma_start3A_349[%dma_start3A_350, %add3A_327, %dma_start3A_351, %dma_start3A_352] : memref<4x128x8x128xf32, #tpu.memory_space<hbm>> -> memref<4x1x8x128xf32, #tpu.memory_space<hbm>>
      %dma_start3A_354 = tpu.memref_squeeze %dma_start3A_353 : memref<4x1x8x128xf32, #tpu.memory_space<hbm>> -> memref<4x8x128xf32, #tpu.memory_space<hbm>>
      %dma_start3A_355 = arith.constant 0 : i32
      %dma_start3A_356 = arith.constant 0 : i32
      %dma_start3A_357 = arith.constant 0 : i32
      %dma_start3A_358 = tpu.memref_slice %arg7[%rem3A_277, %dma_start3A_355, %dma_start3A_356, %dma_start3A_357] : memref<4x4x8x128xf32, #tpu.memory_space<vmem>> -> memref<1x4x8x128xf32, #tpu.memory_space<vmem>>
      %dma_start3A_359 = tpu.memref_squeeze %dma_start3A_358 : memref<1x4x8x128xf32, #tpu.memory_space<vmem>> -> memref<4x8x128xf32, #tpu.memory_space<vmem>>
      tpu.enqueue_dma source(%dma_start3A_359 : memref<4x8x128xf32, #tpu.memory_space<vmem>>) target(%dma_start3A_354 : memref<4x8x128xf32, #tpu.memory_space<hbm>>) target_semaphore(%arg9 : memref<!tpu.dma_semaphore, #tpu.memory_space<semaphore_mem>>)
    }
    %scan3A_133 = arith.constant 104 : i32
    %dma_wait3A = arith.constant 0 : i32
    %dma_wait3A_134 = arith.constant 0 : i32
    %dma_wait3A_135 = arith.constant 0 : i32
    %dma_wait3A_136 = arith.constant 0 : i32
    %dma_wait3A_137 = arith.constant 0 : i32
    %dma_wait3A_138 = arith.constant 0 : i32
    %dma_wait3A_139 = tpu.memref_slice %arg7[%dma_wait3A, %dma_wait3A_136, %dma_wait3A_137, %dma_wait3A_138] : memref<4x4x8x128xf32, #tpu.memory_space<vmem>> -> memref<1x4x8x128xf32, #tpu.memory_space<vmem>>
    %dma_wait3A_140 = tpu.memref_squeeze %dma_wait3A_139 : memref<1x4x8x128xf32, #tpu.memory_space<vmem>> -> memref<4x8x128xf32, #tpu.memory_space<vmem>>
    %dma_wait3A_141 = arith.constant 0 : i32
    %dma_wait3A_142 = arith.constant 0 : i32
    %dma_wait3A_143 = arith.constant 0 : i32
    %dma_wait3A_144 = arith.constant 0 : i32
    %dma_wait3A_145 = tpu.memref_slice %arg4[%dma_wait3A_134, %dma_wait3A_141, %dma_wait3A_142, %dma_wait3A_143, %dma_wait3A_144] : memref<26x4x128x8x128xf32, #tpu.memory_space<hbm>> -> memref<1x4x128x8x128xf32, #tpu.memory_space<hbm>>
    %dma_wait3A_146 = tpu.memref_squeeze %dma_wait3A_145 : memref<1x4x128x8x128xf32, #tpu.memory_space<hbm>> -> memref<4x128x8x128xf32, #tpu.memory_space<hbm>>
    %dma_wait3A_147 = arith.constant 0 : i32
    %dma_wait3A_148 = arith.constant 0 : i32
    %dma_wait3A_149 = arith.constant 0 : i32
    %dma_wait3A_150 = tpu.memref_slice %dma_wait3A_146[%dma_wait3A_147, %dma_wait3A_135, %dma_wait3A_148, %dma_wait3A_149] : memref<4x128x8x128xf32, #tpu.memory_space<hbm>> -> memref<4x1x8x128xf32, #tpu.memory_space<hbm>>
    %dma_wait3A_151 = tpu.memref_squeeze %dma_wait3A_150 : memref<4x1x8x128xf32, #tpu.memory_space<hbm>> -> memref<4x8x128xf32, #tpu.memory_space<hbm>>
    %dma_wait3A_152 = arith.constant 0 : i32
    %dma_wait3A_153 = arith.constant 0 : i32
    %dma_wait3A_154 = arith.constant 0 : i32
    %dma_wait3A_155 = arith.constant 0 : i32
    %dma_wait3A_156 = tpu.memref_slice %arg4[%dma_wait3A_134, %dma_wait3A_152, %dma_wait3A_153, %dma_wait3A_154, %dma_wait3A_155] : memref<26x4x128x8x128xf32, #tpu.memory_space<hbm>> -> memref<1x4x128x8x128xf32, #tpu.memory_space<hbm>>
    %dma_wait3A_157 = tpu.memref_squeeze %dma_wait3A_156 : memref<1x4x128x8x128xf32, #tpu.memory_space<hbm>> -> memref<4x128x8x128xf32, #tpu.memory_space<hbm>>
    %dma_wait3A_158 = arith.constant 0 : i32
    %dma_wait3A_159 = arith.constant 0 : i32
    %dma_wait3A_160 = arith.constant 0 : i32
    %dma_wait3A_161 = tpu.memref_slice %dma_wait3A_157[%dma_wait3A_158, %dma_wait3A_135, %dma_wait3A_159, %dma_wait3A_160] : memref<4x128x8x128xf32, #tpu.memory_space<hbm>> -> memref<4x1x8x128xf32, #tpu.memory_space<hbm>>
    %dma_wait3A_162 = tpu.memref_squeeze %dma_wait3A_161 : memref<4x1x8x128xf32, #tpu.memory_space<hbm>> -> memref<4x8x128xf32, #tpu.memory_space<hbm>>
    %dma_wait3A_163 = arith.constant 0 : i32
    %dma_wait3A_164 = arith.constant 0 : i32
    %dma_wait3A_165 = arith.constant 0 : i32
    %dma_wait3A_166 = tpu.memref_slice %arg7[%dma_wait3A, %dma_wait3A_163, %dma_wait3A_164, %dma_wait3A_165] : memref<4x4x8x128xf32, #tpu.memory_space<vmem>> -> memref<1x4x8x128xf32, #tpu.memory_space<vmem>>
    %dma_wait3A_167 = tpu.memref_squeeze %dma_wait3A_166 : memref<1x4x8x128xf32, #tpu.memory_space<vmem>> -> memref<4x8x128xf32, #tpu.memory_space<vmem>>
    tpu.wait_dma2 semaphore(%arg9 : memref<!tpu.dma_semaphore, #tpu.memory_space<semaphore_mem>>) src(%dma_wait3A_167 : memref<4x8x128xf32, #tpu.memory_space<vmem>>) dst(%dma_wait3A_162 : memref<4x8x128xf32, #tpu.memory_space<hbm>>)
    %dma_wait3A_168 = arith.constant 0 : i32
    %dma_wait3A_169 = arith.constant 0 : i32
    %dma_wait3A_170 = arith.constant 0 : i32
    %dma_wait3A_171 = arith.constant 0 : i32
    %dma_wait3A_172 = arith.constant 0 : i32
    %dma_wait3A_173 = arith.constant 0 : i32
    %dma_wait3A_174 = tpu.memref_slice %arg7[%dma_wait3A_168, %dma_wait3A_171, %dma_wait3A_172, %dma_wait3A_173] : memref<4x4x8x128xf32, #tpu.memory_space<vmem>> -> memref<1x4x8x128xf32, #tpu.memory_space<vmem>>
    %dma_wait3A_175 = tpu.memref_squeeze %dma_wait3A_174 : memref<1x4x8x128xf32, #tpu.memory_space<vmem>> -> memref<4x8x128xf32, #tpu.memory_space<vmem>>
    %dma_wait3A_176 = arith.constant 0 : i32
    %dma_wait3A_177 = arith.constant 0 : i32
    %dma_wait3A_178 = arith.constant 0 : i32
    %dma_wait3A_179 = arith.constant 0 : i32
    %dma_wait3A_180 = tpu.memref_slice %arg4[%dma_wait3A_169, %dma_wait3A_176, %dma_wait3A_177, %dma_wait3A_178, %dma_wait3A_179] : memref<26x4x128x8x128xf32, #tpu.memory_space<hbm>> -> memref<1x4x128x8x128xf32, #tpu.memory_space<hbm>>
    %dma_wait3A_181 = tpu.memref_squeeze %dma_wait3A_180 : memref<1x4x128x8x128xf32, #tpu.memory_space<hbm>> -> memref<4x128x8x128xf32, #tpu.memory_space<hbm>>
    %dma_wait3A_182 = arith.constant 0 : i32
    %dma_wait3A_183 = arith.constant 0 : i32
    %dma_wait3A_184 = arith.constant 0 : i32
    %dma_wait3A_185 = tpu.memref_slice %dma_wait3A_181[%dma_wait3A_182, %dma_wait3A_170, %dma_wait3A_183, %dma_wait3A_184] : memref<4x128x8x128xf32, #tpu.memory_space<hbm>> -> memref<4x1x8x128xf32, #tpu.memory_space<hbm>>
    %dma_wait3A_186 = tpu.memref_squeeze %dma_wait3A_185 : memref<4x1x8x128xf32, #tpu.memory_space<hbm>> -> memref<4x8x128xf32, #tpu.memory_space<hbm>>
    %dma_wait3A_187 = arith.constant 0 : i32
    %dma_wait3A_188 = arith.constant 0 : i32
    %dma_wait3A_189 = arith.constant 0 : i32
    %dma_wait3A_190 = arith.constant 0 : i32
    %dma_wait3A_191 = tpu.memref_slice %arg4[%dma_wait3A_169, %dma_wait3A_187, %dma_wait3A_188, %dma_wait3A_189, %dma_wait3A_190] : memref<26x4x128x8x128xf32, #tpu.memory_space<hbm>> -> memref<1x4x128x8x128xf32, #tpu.memory_space<hbm>>
    %dma_wait3A_192 = tpu.memref_squeeze %dma_wait3A_191 : memref<1x4x128x8x128xf32, #tpu.memory_space<hbm>> -> memref<4x128x8x128xf32, #tpu.memory_space<hbm>>
    %dma_wait3A_193 = arith.constant 0 : i32
    %dma_wait3A_194 = arith.constant 0 : i32
    %dma_wait3A_195 = arith.constant 0 : i32
    %dma_wait3A_196 = tpu.memref_slice %dma_wait3A_192[%dma_wait3A_193, %dma_wait3A_170, %dma_wait3A_194, %dma_wait3A_195] : memref<4x128x8x128xf32, #tpu.memory_space<hbm>> -> memref<4x1x8x128xf32, #tpu.memory_space<hbm>>
    %dma_wait3A_197 = tpu.memref_squeeze %dma_wait3A_196 : memref<4x1x8x128xf32, #tpu.memory_space<hbm>> -> memref<4x8x128xf32, #tpu.memory_space<hbm>>
    %dma_wait3A_198 = arith.constant 0 : i32
    %dma_wait3A_199 = arith.constant 0 : i32
    %dma_wait3A_200 = arith.constant 0 : i32
    %dma_wait3A_201 = tpu.memref_slice %arg7[%dma_wait3A_168, %dma_wait3A_198, %dma_wait3A_199, %dma_wait3A_200] : memref<4x4x8x128xf32, #tpu.memory_space<vmem>> -> memref<1x4x8x128xf32, #tpu.memory_space<vmem>>
    %dma_wait3A_202 = tpu.memref_squeeze %dma_wait3A_201 : memref<1x4x8x128xf32, #tpu.memory_space<vmem>> -> memref<4x8x128xf32, #tpu.memory_space<vmem>>
    tpu.wait_dma2 semaphore(%arg9 : memref<!tpu.dma_semaphore, #tpu.memory_space<semaphore_mem>>) src(%dma_wait3A_202 : memref<4x8x128xf32, #tpu.memory_space<vmem>>) dst(%dma_wait3A_197 : memref<4x8x128xf32, #tpu.memory_space<hbm>>)
    %dma_wait3A_203 = arith.constant 0 : i32
    %dma_wait3A_204 = arith.constant 0 : i32
    %dma_wait3A_205 = arith.constant 0 : i32
    %dma_wait3A_206 = arith.constant 0 : i32
    %dma_wait3A_207 = arith.constant 0 : i32
    %dma_wait3A_208 = arith.constant 0 : i32
    %dma_wait3A_209 = tpu.memref_slice %arg7[%dma_wait3A_203, %dma_wait3A_206, %dma_wait3A_207, %dma_wait3A_208] : memref<4x4x8x128xf32, #tpu.memory_space<vmem>> -> memref<1x4x8x128xf32, #tpu.memory_space<vmem>>
    %dma_wait3A_210 = tpu.memref_squeeze %dma_wait3A_209 : memref<1x4x8x128xf32, #tpu.memory_space<vmem>> -> memref<4x8x128xf32, #tpu.memory_space<vmem>>
    %dma_wait3A_211 = arith.constant 0 : i32
    %dma_wait3A_212 = arith.constant 0 : i32
    %dma_wait3A_213 = arith.constant 0 : i32
    %dma_wait3A_214 = arith.constant 0 : i32
    %dma_wait3A_215 = tpu.memref_slice %arg4[%dma_wait3A_204, %dma_wait3A_211, %dma_wait3A_212, %dma_wait3A_213, %dma_wait3A_214] : memref<26x4x128x8x128xf32, #tpu.memory_space<hbm>> -> memref<1x4x128x8x128xf32, #tpu.memory_space<hbm>>
    %dma_wait3A_216 = tpu.memref_squeeze %dma_wait3A_215 : memref<1x4x128x8x128xf32, #tpu.memory_space<hbm>> -> memref<4x128x8x128xf32, #tpu.memory_space<hbm>>
    %dma_wait3A_217 = arith.constant 0 : i32
    %dma_wait3A_218 = arith.constant 0 : i32
    %dma_wait3A_219 = arith.constant 0 : i32
    %dma_wait3A_220 = tpu.memref_slice %dma_wait3A_216[%dma_wait3A_217, %dma_wait3A_205, %dma_wait3A_218, %dma_wait3A_219] : memref<4x128x8x128xf32, #tpu.memory_space<hbm>> -> memref<4x1x8x128xf32, #tpu.memory_space<hbm>>
    %dma_wait3A_221 = tpu.memref_squeeze %dma_wait3A_220 : memref<4x1x8x128xf32, #tpu.memory_space<hbm>> -> memref<4x8x128xf32, #tpu.memory_space<hbm>>
    %dma_wait3A_222 = arith.constant 0 : i32
    %dma_wait3A_223 = arith.constant 0 : i32
    %dma_wait3A_224 = arith.constant 0 : i32
    %dma_wait3A_225 = arith.constant 0 : i32
    %dma_wait3A_226 = tpu.memref_slice %arg4[%dma_wait3A_204, %dma_wait3A_222, %dma_wait3A_223, %dma_wait3A_224, %dma_wait3A_225] : memref<26x4x128x8x128xf32, #tpu.memory_space<hbm>> -> memref<1x4x128x8x128xf32, #tpu.memory_space<hbm>>
    %dma_wait3A_227 = tpu.memref_squeeze %dma_wait3A_226 : memref<1x4x128x8x128xf32, #tpu.memory_space<hbm>> -> memref<4x128x8x128xf32, #tpu.memory_space<hbm>>
    %dma_wait3A_228 = arith.constant 0 : i32
    %dma_wait3A_229 = arith.constant 0 : i32
    %dma_wait3A_230 = arith.constant 0 : i32
    %dma_wait3A_231 = tpu.memref_slice %dma_wait3A_227[%dma_wait3A_228, %dma_wait3A_205, %dma_wait3A_229, %dma_wait3A_230] : memref<4x128x8x128xf32, #tpu.memory_space<hbm>> -> memref<4x1x8x128xf32, #tpu.memory_space<hbm>>
    %dma_wait3A_232 = tpu.memref_squeeze %dma_wait3A_231 : memref<4x1x8x128xf32, #tpu.memory_space<hbm>> -> memref<4x8x128xf32, #tpu.memory_space<hbm>>
    %dma_wait3A_233 = arith.constant 0 : i32
    %dma_wait3A_234 = arith.constant 0 : i32
    %dma_wait3A_235 = arith.constant 0 : i32
    %dma_wait3A_236 = tpu.memref_slice %arg7[%dma_wait3A_203, %dma_wait3A_233, %dma_wait3A_234, %dma_wait3A_235] : memref<4x4x8x128xf32, #tpu.memory_space<vmem>> -> memref<1x4x8x128xf32, #tpu.memory_space<vmem>>
    %dma_wait3A_237 = tpu.memref_squeeze %dma_wait3A_236 : memref<1x4x8x128xf32, #tpu.memory_space<vmem>> -> memref<4x8x128xf32, #tpu.memory_space<vmem>>
    tpu.wait_dma2 semaphore(%arg9 : memref<!tpu.dma_semaphore, #tpu.memory_space<semaphore_mem>>) src(%dma_wait3A_237 : memref<4x8x128xf32, #tpu.memory_space<vmem>>) dst(%dma_wait3A_232 : memref<4x8x128xf32, #tpu.memory_space<hbm>>)
    %dma_wait3A_238 = arith.constant 0 : i32
    %dma_wait3A_239 = arith.constant 0 : i32
    %dma_wait3A_240 = arith.constant 0 : i32
    %dma_wait3A_241 = arith.constant 0 : i32
    %dma_wait3A_242 = arith.constant 0 : i32
    %dma_wait3A_243 = arith.constant 0 : i32
    %dma_wait3A_244 = tpu.memref_slice %arg7[%dma_wait3A_238, %dma_wait3A_241, %dma_wait3A_242, %dma_wait3A_243] : memref<4x4x8x128xf32, #tpu.memory_space<vmem>> -> memref<1x4x8x128xf32, #tpu.memory_space<vmem>>
    %dma_wait3A_245 = tpu.memref_squeeze %dma_wait3A_244 : memref<1x4x8x128xf32, #tpu.memory_space<vmem>> -> memref<4x8x128xf32, #tpu.memory_space<vmem>>
    %dma_wait3A_246 = arith.constant 0 : i32
    %dma_wait3A_247 = arith.constant 0 : i32
    %dma_wait3A_248 = arith.constant 0 : i32
    %dma_wait3A_249 = arith.constant 0 : i32
    %dma_wait3A_250 = tpu.memref_slice %arg4[%dma_wait3A_239, %dma_wait3A_246, %dma_wait3A_247, %dma_wait3A_248, %dma_wait3A_249] : memref<26x4x128x8x128xf32, #tpu.memory_space<hbm>> -> memref<1x4x128x8x128xf32, #tpu.memory_space<hbm>>
    %dma_wait3A_251 = tpu.memref_squeeze %dma_wait3A_250 : memref<1x4x128x8x128xf32, #tpu.memory_space<hbm>> -> memref<4x128x8x128xf32, #tpu.memory_space<hbm>>
    %dma_wait3A_252 = arith.constant 0 : i32
    %dma_wait3A_253 = arith.constant 0 : i32
    %dma_wait3A_254 = arith.constant 0 : i32
    %dma_wait3A_255 = tpu.memref_slice %dma_wait3A_251[%dma_wait3A_252, %dma_wait3A_240, %dma_wait3A_253, %dma_wait3A_254] : memref<4x128x8x128xf32, #tpu.memory_space<hbm>> -> memref<4x1x8x128xf32, #tpu.memory_space<hbm>>
    %dma_wait3A_256 = tpu.memref_squeeze %dma_wait3A_255 : memref<4x1x8x128xf32, #tpu.memory_space<hbm>> -> memref<4x8x128xf32, #tpu.memory_space<hbm>>
    %dma_wait3A_257 = arith.constant 0 : i32
    %dma_wait3A_258 = arith.constant 0 : i32
    %dma_wait3A_259 = arith.constant 0 : i32
    %dma_wait3A_260 = arith.constant 0 : i32
    %dma_wait3A_261 = tpu.memref_slice %arg4[%dma_wait3A_239, %dma_wait3A_257, %dma_wait3A_258, %dma_wait3A_259, %dma_wait3A_260] : memref<26x4x128x8x128xf32, #tpu.memory_space<hbm>> -> memref<1x4x128x8x128xf32, #tpu.memory_space<hbm>>
    %dma_wait3A_262 = tpu.memref_squeeze %dma_wait3A_261 : memref<1x4x128x8x128xf32, #tpu.memory_space<hbm>> -> memref<4x128x8x128xf32, #tpu.memory_space<hbm>>
    %dma_wait3A_263 = arith.constant 0 : i32
    %dma_wait3A_264 = arith.constant 0 : i32
    %dma_wait3A_265 = arith.constant 0 : i32
    %dma_wait3A_266 = tpu.memref_slice %dma_wait3A_262[%dma_wait3A_263, %dma_wait3A_240, %dma_wait3A_264, %dma_wait3A_265] : memref<4x128x8x128xf32, #tpu.memory_space<hbm>> -> memref<4x1x8x128xf32, #tpu.memory_space<hbm>>
    %dma_wait3A_267 = tpu.memref_squeeze %dma_wait3A_266 : memref<4x1x8x128xf32, #tpu.memory_space<hbm>> -> memref<4x8x128xf32, #tpu.memory_space<hbm>>
    %dma_wait3A_268 = arith.constant 0 : i32
    %dma_wait3A_269 = arith.constant 0 : i32
    %dma_wait3A_270 = arith.constant 0 : i32
    %dma_wait3A_271 = tpu.memref_slice %arg7[%dma_wait3A_238, %dma_wait3A_268, %dma_wait3A_269, %dma_wait3A_270] : memref<4x4x8x128xf32, #tpu.memory_space<vmem>> -> memref<1x4x8x128xf32, #tpu.memory_space<vmem>>
    %dma_wait3A_272 = tpu.memref_squeeze %dma_wait3A_271 : memref<1x4x8x128xf32, #tpu.memory_space<vmem>> -> memref<4x8x128xf32, #tpu.memory_space<vmem>>
    tpu.wait_dma2 semaphore(%arg9 : memref<!tpu.dma_semaphore, #tpu.memory_space<semaphore_mem>>) src(%dma_wait3A_272 : memref<4x8x128xf32, #tpu.memory_space<vmem>>) dst(%dma_wait3A_267 : memref<4x8x128xf32, #tpu.memory_space<hbm>>)
    return
  }
}

</mosaic_0001>

<sc_bundles>
// kernel: kernel.3.cloned.1.call-start
scs
__scs_entry_jumppad:
0x0: {  	(pc) =	sbr.rel $0x88, $3  }
0x1: {  	(tag) =	ssettag $0x0;
	lr =	simm.s32 $0x1  }
0x2: {  	[smem:$0x3F9F] =	sst lr;
	_ =	strace $0xD0000000  }
0x3: {  	_ = 	snop  }
0x4: {  	_ = 	snop  }
0x5: {  	_ = 	snop  }
0x6: {  	_ = 	snop  }
0x7: {  	_ = 	snop  }
__scs_overlays_trampoline_lowered:
0x8: {  	[smem:$0x3FAE] =	sst s0  }
0x9: {  	[smem:$0x3FAF] =	sst s1  }
0xa: {  	[smem:$0x3FB0] =	sst s2  }
0xb: {  	[smem:$0x3FB1] =	sst s3  }
0xc: {  	[smem:$0x3FB2] =	sst s4  }
0xd: {  	[smem:$0x3FB3] =	sst s5  }
0xe: {  	[smem:$0x3FB4] =	sst s6  }
0xf: {  	[smem:$0x3FB5] =	sst s7  }
0x10: {  	[smem:$0x3FB6] =	sst s8  }
0x11: {  	[smem:$0x3FB7] =	sst s9;
	s0 =	simm.s32 @!p0 $0x0  }
0x12: {  	s1 =	sld [smem:$0x3F9D];
	s0 =	simm.s32 @p0 $0x1  }
0x13: {  	[smem:$0x3FB8] =	sst s0;
	s0 =	simm.s32 @!p1 $0x0  }
0x14: {  	s2 =	sld [smem:$0x3F9C];
	s0 =	simm.s32 @p1 $0x1  }
0x15: {  	[smem:$0x3FB9] =	sst s0;
	s0 =	simm.s32 @!p2 $0x0  }
0x16: {  	s3 =	sld [smem:$0x3FDB];
	s0 =	simm.s32 @p2 $0x1  }
0x17: {  	s4 =	simm.s32 $0x1BF5;
	[smem:$0x3FBB] =	sst s0  }
0x18: {  	s0 =	sld [smem:$0x3F9E];
	_ =	swait.ge [sflag:s4], $0x0  }
0x19: {  	s7 =	sld [smem:$0x3F9F]  }
0x1a: {  	s8 =	sadd.s32 $0xFFFFE003, lr  }
0x1b: {  	s9 =	sadd.s32 $0xFFFFFEF7, lr;
	s5 =	simm.s32 $0xFFFFFFFF;
	p2 =	slt.u32 s8, $0xFFFFF086  }
0x1c: {  	p1 =	slt.u32 s9, $0xF7A;
	s5 =	simm.s32 @!p2 $0x0  }
0x1d: {  	s5 =	simm.s32 @p1 $0x1;
	p0 =	seq.s32 s7, s2  }
0x1e: {  	s7 =	smul.u32 @!p0 $0xF7A, s2;
	p2 =	seq.s32 @!p0 s5, $0x0  }
0x1f: {  	s9 =	smul.u32 $0xF7A, s1;
	s8 =	simm.s32 @!p0 $0x1BF5;
	p2 =	por !p2, p0  }
0x20: {  	[sflag:s8] =	ssyncset.s32 @!p0 $0xFFFFF086;
	s6 =	sadd.s32 @!p0 s3, s7;
	s7 =	simm.s32 @!p0 $0x108  }
0x21: {  	s3 =	sadd.s32 s3, s9;
	s6 =	sadd.s32 @!p0 $0x88, s6;
	s7 =	simm.s32 @p2 $0x1082  }
0x22: {  	[simem:s7], [sflag:s8] =	dma.local @!p0 [hbm:s6], $0xF7A  }
0x23: {  	s9 =	sor.u32 $0xD0000000, s2;
	s6 =	simm.s32 $0x108;
	_ =	swait.ge @!p0 [sflag:s8], $0x0  }
0x24: {  	s3 =	sadd.s32 $0x88, s3;
	s6 =	simm.s32 @!p1 $0x1082;
	[sflag:s4] =	ssyncset.s32 $0xFFFFF086  }
0x25: {  	[simem:s6], [sflag:s4] =	dma.local [hbm:s3], $0xF7A  }
0x26: {  	[smem:$0x3F9F] =	sst s1;
	(tag) =	ssettag s2;
	_ =	strace s9  }
0x27: {  	s1 =	sld [smem:$0x3FAF]  }
0x28: {  	s2 =	sld [smem:$0x3FB0]  }
0x29: {  	s4 =	sld [smem:$0x3FB2]  }
0x2a: {  	p0 =	seq.s32 s5, $0x0;
	s5 =	sld [smem:$0x3FB3]  }
0x2b: {  	s6 =	sld [smem:$0x3FB4]  }
0x2c: {  	s7 =	sld [smem:$0x3FB5]  }
0x2d: {  	s3 =	simm.s32 $0x108;
	s8 =	sld [smem:$0x3FB6]  }
0x2e: {  	s3 =	simm.s32 @!p0 $0x1082;
	s9 =	sld [smem:$0x3FB7]  }
0x2f: {  	lr =	sadd.s32 s0, s3;
	s0 =	sld [smem:$0x3FAE]  }
0x30: {  	s3 =	sld [smem:$0x3FB1]  }
0x31: {  	[smem:$0x3FBA] =	sst s10  }
0x32: {  	s10 =	sld [smem:$0x3FB8];
	_ =	sdelay $0x3  }
0x33: {  	p0 =	seq.s32 s10, $0x1;
	s10 =	sld [smem:$0x3FBA];
	_ =	sdelay $0x3  }
0x34: {  	[smem:$0x3FBA] =	sst s10  }
0x35: {  	s10 =	sld [smem:$0x3FB9];
	_ =	sdelay $0x3  }
0x36: {  	p1 =	seq.s32 s10, $0x1;
	s10 =	sld [smem:$0x3FBA];
	_ =	sdelay $0x3  }
0x37: {  	[smem:$0x3FBA] =	sst s10  }
0x38: {  	s10 =	sld [smem:$0x3FBB]  }
0x39: {  	_ = 	snop;
	(pc) =	sbr.ind lr, $3  }
0x3a: {  	_ = 	snop  }
0x3b: {  	_ = 	snop  }
0x3c: {  	p2 =	seq.s32 s10, $0x1;
	s10 =	sld [smem:$0x3FBA]  }
0x3d: {  	_ =	shalt  }
0x3e: {  	_ =	shalt  }
0x3f: {  	_ =	shalt  }
0x40: {  	_ =	shalt  }
0x41: {  	_ =	shalt  }
0x42: {  	_ =	shalt  }
0x43: {  	_ =	shalt  }
0x44: {  	_ =	shalt  }
0x45: {  	_ =	shalt  }
0x46: {  	_ =	shalt  }
0x47: {  	_ =	shalt  }
0x48: {  	_ =	shalt  }
0x49: {  	_ =	shalt  }
0x4a: {  	_ =	shalt  }
0x4b: {  	_ =	shalt  }
0x4c: {  	_ =	shalt  }
0x4d: {  	_ =	shalt  }
0x4e: {  	_ =	shalt  }
0x4f: {  	_ =	shalt  }
0x50: {  	_ =	shalt  }
0x51: {  	_ =	shalt  }
0x52: {  	_ =	shalt  }
0x53: {  	_ =	shalt  }
0x54: {  	_ =	shalt  }
0x55: {  	_ =	shalt  }
0x56: {  	_ =	shalt  }
0x57: {  	_ =	shalt  }
0x58: {  	_ =	shalt  }
0x59: {  	_ =	shalt  }
0x5a: {  	_ =	shalt  }
0x5b: {  	_ =	shalt  }
0x5c: {  	_ =	shalt  }
0x5d: {  	_ =	shalt  }
0x5e: {  	_ =	shalt  }
0x5f: {  	_ =	shalt  }
0x60: {  	_ =	shalt  }
0x61: {  	_ =	shalt  }
0x62: {  	_ =	shalt  }
0x63: {  	_ =	shalt  }
0x64: {  	_ =	shalt  }
0x65: {  	_ =	shalt  }
0x66: {  	_ =	shalt  }
0x67: {  	_ =	shalt  }
0x68: {  	_ =	shalt  }
0x69: {  	_ =	shalt  }
0x6a: {  	_ =	shalt  }
0x6b: {  	_ =	shalt  }
0x6c: {  	_ =	shalt  }
0x6d: {  	_ =	shalt  }
0x6e: {  	_ =	shalt  }
0x6f: {  	_ =	shalt  }
0x70: {  	_ =	shalt  }
0x71: {  	_ =	shalt  }
0x72: {  	_ =	shalt  }
0x73: {  	_ =	shalt  }
0x74: {  	_ =	shalt  }
0x75: {  	_ =	shalt  }
0x76: {  	_ =	shalt  }
0x77: {  	_ =	shalt  }
0x78: {  	_ =	shalt  }
0x79: {  	_ =	shalt  }
0x7a: {  	_ =	shalt  }
0x7b: {  	_ =	shalt  }
0x7c: {  	_ =	shalt  }
0x7d: {  	_ =	shalt  }
0x7e: {  	_ =	shalt  }
0x7f: {  	_ =	shalt  }
0x80: {  	_ =	shalt  }
0x81: {  	_ =	shalt  }
0x82: {  	_ =	shalt  }
0x83: {  	_ =	shalt  }
0x84: {  	_ =	shalt  }
0x85: {  	_ =	shalt  }
0x86: {  	_ =	shalt  }
0x87: {  	_ =	shalt  }
.Lfunc_end0:
.L_simem_size_0:
called_computation_lowered:
.L_overlay_start_0:
0x88: {  	s2 =	sld [smem:$0x3FD9]  }
0x89: {  	s3 =	sld [smem:$0x3FFE];
	_ =	sdelay $0x1  }
0x8a: {  	s1 =	srdreg.scid  }
0x8b: {  	s0 =	sand.u32 $0x1, s1  }
0x8c: {  	s17 =	sshll.u32 s0, $0xA;
	s2 =	sadd.s32 s3, s2  }
0x8d: {  	s2 =	sadd.s32 s2, s17  }
0x8e: {  	[smem:$0x3FC6] =	sst s2  }
0x8f: {  	_ = 	snop  }
0x90: {  	s2 =	sld [smem:$0x3FD0];
	(tm) =	ssettm $0x1  }
0x91: {  	s18 =	sld [smem:$0x3FFB];
	_ =	sdelay $0x3  }
0x92: {  	_ =	strace s18  }
0x93: {  	s3 =	sld [smem:$0x3FFC];
	_ =	sdelay $0x3  }
0x94: {  	_ =	strace s3  }
0x95: {  	s3 =	sld [smem:$0x3FFD];
	_ =	sdelay $0x3  }
0x96: {  	_ =	strace s3  }
0x97: {  	_ =	strace $0x8FFFFFFF  }
0x98: {  	s19 =	sld [smem:$0x3FDB];
	_ =	sdelay $0x1  }
0x99: {  	s4 =	simm.s32 $_scs_section_size  }
0x9a: {  	s5 =	simm.s32 $_size__tile_overlayer_lowered;
	s6 =	simm.s32 $_tile_overlayer_lowered  }
0x9b: {  	s22 =	simm.s32 $0x1BFF;
	s21 =	sshll.u32 s6, $0x1;
	s3 =	sadd.s32 s4, s19  }
0x9c: {  	s7 =	simm.s32 $0x0;
	s20 =	sshll.u32 s5, $0x1;
	s5 =	sadd.s32 s21, s3  }
0x9d: {  	[timem:s7], [sflag:s22] =	dma.local [hbm:s5], s20  }
0x9e: {  	_ =	swait.ge [sflag:s22], s20  }
0x9f: {  	s4 =	ssub.s32 $0x0, s20;
	[sflag:s22] =	ssyncset.done $0x0  }
0xa0: {  	[sflag:s22] =	ssyncadd.s32 s4;
	_ =	sdelay $0x1  }
0xa1: {  	s23 =	simm.s32 $0x1B8B  }
0xa2: {  	_ =	swait.ge [sflag:s23], $0x1  }
0xa3: {  	[sflag:s23] =	ssyncset.done $0x0  }
0xa4: {  	s25 =	simm.s32 $0x1B8E;
	s24 =	sld [smem:$0x3FFE];
	[sflag:s23] =	ssyncadd.s32 $0xFFFFFFFF  }
0xa5: {  	s26 =	simm.s32 $execute0_lowered;
	[smem:$0x3FD2] =	sst s25  }
0xa6: {  	s5 =	sshll.u32 s26, $0x1;
	_ =	strace $0x80000046;
	[dreg:$0x1] =	wrdreg $0xFFFFFFFF  }
0xa7: {  	s28 =	simm.s32 $_size_execute0_lowered;
	s3 =	sadd.s32 s3, s5;
	[dreg:$0x0] =	wrdreg $0x0  }
0xa8: {  	s5 =	sshll.u32 s28, $0x1;
	[dreg:$0x2] =	wrdreg s3  }
0xa9: {  	[dreg:$0x3] =	wrdreg s5  }
0xaa: {  	[dreg:$0x4] =	wrdreg $0xC0  }
0xab: {  	_ =	task [dreg:s7], $0x5FFFF  }
0xac: {  	[dreg:$0x1] =	wrdreg $0xFFFFFFFF  }
0xad: {  	[dreg:$0x0] =	wrdreg $0x60  }
0xae: {  	[dreg:$0x2] =	wrdreg s24  }
0xaf: {  	[dreg:$0x3] =	wrdreg s2  }
0xb0: {  	[dreg:$0x4] =	wrdreg $0x9  }
0xb1: {  	_ =	task.clear_ibuf [dreg:s7], $0x5FFFF;
	_ =	strace $0x90000046  }
0xb2: {  	s29 =	simm.s32 $0x9;
	_ =	strace $0x80000048  }
0xb3: {  	_ =	swait.ge [sflag:s29], $0x1  }
0xb4: {  	[sflag:s29] =	ssyncadd.s32 $0xFFFFFFFF  }
0xb5: {  	_ =	strace $0x90000048  }
0xb6: {  	_ =	sfence  }
0xb7: {  	s30 =	sld [smem:$0x0];
	_ =	sdelay $0x2  }
0xb8: {  	s31 =	sshll.u32 s1, $0xD;
	s1 =	sshrl.u32 s1, $0x2  }
0xb9: {  	s3 =	sand.u32 $0x4000, s31;
	s1 =	sadd.s32 s1, s30  }
0xba: {  	s0 =	sor.u32 s3, s0;
	s1 =	sshll.u32 s1, $0x11  }
0xbb: {  	s0 =	sor.u32 s1, s0  }
0xbc: {  	s0 =	sadd.s32 $0x8F2B, s0  }
0xbd: {  	[sflag:s0] =	ssyncadd.remote.s32 $0x1  }
0xbe: {  	_ =	sfence.sel $0xFFFF  }
0xbf: {  	[dreg:$0x0] =	wrdreg $0xFFFFFFFF;
	(pc) =	sbr.abs _section_cstart, $3  }
0xc0: {  	[dreg:$0x1] =	wrdreg $0xFFFFFFFF  }
0xc1: {  	_ =	task.clear_ibuf [dreg:s7], $0x2FFFF;
	_ =	strace $0x9FFFFFFF  }
0xc2: {  	(tm) =	ssettm $0x7FFFFFFF  }
0xc3: {  	_ =	shalt  }
tec
execute0_lowered:
.L_overlay_start_1:
0x0: {  	(tag) =	ssettag $0x1  }
0x1: {  	s0 =	rddreg [dreg:$0x0];
	s1 =	srdreg.scid  }
0x2: {  	s3 =	stileid.u32;
	s2 =	rddreg [dreg:$0x1];
	s8 =	simm.s32 $0x200  }
0x3: {  	s10 =	simm.s32 $0x3;
	s11 =	simm.s32 $0x80;
	s14 =	simm.s32 $0x100  }
0x4: {  	s15 =	simm.s32 $0x5400;
	s16 =	simm.s32 $0x180;
	s17 =	simm.s32 $0x6400  }
0x5: {  	s18 =	simm.s32 $0x7400;
	s19 =	simm.s32 $0x280;
	s20 =	simm.s32 $0x8400  }
0x6: {  	s21 =	simm.s32 $0x300;
	s22 =	simm.s32 $0x9400;
	s23 =	simm.s32 $0x380  }
0x7: {  	s24 =	simm.s32 $0xA400;
	s25 =	simm.s32 $0x1;
	s26 =	simm.s32 $0x2  }
0x8: {  	v0 =	vlaneseq.u32;
	s28 =	simm.s32 $0x400;
	s29 =	simm.s32 $0x20000;
	s30 =	simm.s32 $0x0  }
0x9: {  	s1 =	sand.u32 $0x1, s1;
	s4 =	sshll.u32 s3, $0x1;
	s3 =	simm.s32 $0x0;
	v1 =	vmul.u32 $0x20, v0;
	v3 =	vor.u32 $0x10, v0;
	v5 =	vor.u32 $0x20, v0  }
0xa: {  	v7 =	vor.u32 $0x30, v0;
	v9 =	vor.u32 $0x40, v0;
	v11 =	vor.u32 $0x50, v0;
	s6 =	sor.u32 s1, s4;
	[smem:$0x7FF] =	sst s3;
	s1 =	ssub.s32 $0x2, s1  }
0xb: {  	v13 =	vor.u32 $0x60, v0;
	v15 =	vor.u32 $0x70, v0;
	s4 =	sshll.u32 s6, $0x6;
	_ =	strace $0x80000047;
	s7 =	sshrl.u32 s1, $0x1;
	v2 =	vor.u32 $0x200, v1  }
0xc: {  	s6 =	sshll.u32 s6, $0x9;
	v4 =	vor.u32 $0x400, v1;
	v6 =	vor.u32 $0x600, v1;
	v8 =	vor.u32 $0x800, v1;
	s5 =	sadd.s32 s4, s0;
	s31 =	ssub.s32 s1, s7  }
0xd: {  	v10 =	vor.u32 $0xA00, v1;
	v12 =	vor.u32 $0xC00, v1;
	v14 =	vor.u32 $0xE00, v1;
	s4 =	sadd.s32 $0xF42A00, s0;
	s5 =	sadd.s32 $0x600, s5;
	s7 =	smax.u32 s31, $0x1  }
.LBB2_1:
0xe: {  	s0 =	simm.s32 $0x4000  }
0xf: {  	[tilespmem:s3], [sflag:$0x3] =	stream.strided.gather [hbm4b:s5+s8], $0x3400, s0, s8, $0x38;
	[tilespmem:$0x17400] =	vst v63  }
0x10: {  	_ =	swait.ge [sflag:s10], $0x3400  }
0x11: {  	[sflag:s10] =	ssyncset.done $0x0  }
0x12: {  	s12 =	simm.s32 $0x3400;
	[sflag:s10] =	ssyncadd.s32 $0xFFFFCC00  }
0x13: {  	[tilespmem:s12], [sflag:$0x1] =	stream.indirect.gather [hbm4b:s4+s11], $0x20, s3, s11, $0xb8;
	[tilespmem:$0x17400] =	vst v63  }
0x14: {  	s13 =	simm.s32 $0x4400  }
0x15: {  	[tilespmem:s13], [sflag:$0x1] =	stream.indirect.gather [hbm4b:s4+s11], $0x20, s11, s11, $0xb8;
	[tilespmem:$0x17400] =	vst v63  }
0x16: {  	_ = 	snop  }
0x17: {  	[tilespmem:s15], [sflag:$0x1] =	stream.indirect.gather [hbm4b:s4+s11], $0x20, s14, s11, $0xb8;
	[tilespmem:$0x17400] =	vst v63  }
0x18: {  	_ = 	snop  }
0x19: {  	[tilespmem:s17], [sflag:$0x1] =	stream.indirect.gather [hbm4b:s4+s11], $0x20, s16, s11, $0xb8;
	[tilespmem:$0x17400] =	vst v63  }
0x1a: {  	_ = 	snop  }
0x1b: {  	[tilespmem:s18], [sflag:$0x1] =	stream.indirect.gather [hbm4b:s4+s11], $0x20, s8, s11, $0xb8;
	[tilespmem:$0x17400] =	vst v63  }
0x1c: {  	_ = 	snop  }
0x1d: {  	[tilespmem:s20], [sflag:$0x1] =	stream.indirect.gather [hbm4b:s4+s11], $0x20, s19, s11, $0xb8;
	[tilespmem:$0x17400] =	vst v63  }
0x1e: {  	_ = 	snop  }
0x1f: {  	[tilespmem:s22], [sflag:$0x1] =	stream.indirect.gather [hbm4b:s4+s11], $0x20, s21, s11, $0xb8;
	[tilespmem:$0x17400] =	vst v63  }
0x20: {  	s31 =	simm.s32 $0x0  }
0x21: {  	[tilespmem:s24], [sflag:$0x1] =	stream.indirect.gather [hbm4b:s4+s11], $0x20, s23, s11, $0xb8;
	[tilespmem:$0x17400] =	vst v63  }
.LBB2_2:
0x22: {  	_ =	swait.ge [sflag:s25], $0x1000;
	p0 =	sgt.u32 s31, $0x5F  }
0x23: {  	[sflag:s25] =	ssyncset.done $0x0;
	s0 =	sadd.s32 @!p0 $0x8, s31;
	s9 =	sshll.u32 @!p0 s31, $0x7  }
0x24: {  	[sflag:s25] =	ssyncadd.s32 $0xFFFFF000;
	s1 =	sshll.u32 @!p0 s0, $0xC;
	s0 =	sshll.u32 @!p0 s0, $0x7  }
0x25: {  	s9 =	sand.u32 @!p0 $0x180, s9;
	s1 =	sand.u32 @!p0 $0xF000, s1;
	s0 =	sand.u32 @!p0 $0x7E00, s0  }
0x26: {  	s1 =	sadd.s32 @!p0 $0x3400, s1;
	s0 =	sor.u32 @!p0 s9, s0;
	s9 =	simm.s32 @!p0 $0x80  }
0x27: {  	[tilespmem:s1], [sflag:$0x1] =	stream.indirect.gather @!p0 [hbm4b:s4+s9], $0x20, s0, s9, $0xb8;
	[tilespmem:$0x17400] =	vst v63  }
0x28: {  	s9 =	simm.s32 $0x0  }
0x29: {  	v16 =	vadd.s32 s9, v0  }
0x2a: {  	v17 =	vand.u32 $0x1F, v16  }
0x2b: {  	p1 =	slt.u32 @!p0 s31, $0x4;
	v18 =	vor.u32 v1, v17  }
0x2c: {  	p0 =	por p0, !p1  }
0x2d: {  	s12 =	sshll.u32 s31, $0xC;
	_ =	swait.ge @p0 [sflag:s26], $0x1000  }
0x2e: {  	s0 =	sand.u32 $0xF000, s12;
	[sflag:s26] =	ssyncset.done @p0 $0x0;
	v16 =	vshll.u32 v16, $0x7  }
0x2f: {  	s0 =	sadd.s32 $0x3400, s0;
	[sflag:s26] =	ssyncadd.s32 @p0 $0xFFFFF000;
	v16 =	vand.u32 $0xF80, v16  }
0x30: {  	v19 =	vor.u32 v0, v16;
	v18 =	vld.idx.msk [tilespmem:v18+s0+$0x0], $0xffff  }
0x31: {  	v20 =	vor.u32 v2, v17  }
0x32: {  	s9 =	sand.u32 $0x3, s31  }
0x33: {  	s13 =	sshll.u32 s9, $0xC  }
0x34: {  	s1 =	sadd.s32 $0x13400, s13  }
0x35: {  	[tilespmem:v19+s1+$0x0] =	vst.idx.msk $0xffff, v18  }
0x36: {  	v19 =	vor.u32 v3, v16;
	v18 =	vld.idx.msk [tilespmem:v20+s0+$0x0], $0xffff  }
0x37: {  	v20 =	vor.u32 v4, v17;
	_ =	sdelay $0x3  }
0x38: {  	[tilespmem:v19+s1+$0x0] =	vst.idx.msk $0xffff, v18  }
0x39: {  	v19 =	vor.u32 v5, v16;
	v18 =	vld.idx.msk [tilespmem:v20+s0+$0x0], $0xffff  }
0x3a: {  	v20 =	vor.u32 v6, v17;
	_ =	sdelay $0x3  }
0x3b: {  	[tilespmem:v19+s1+$0x0] =	vst.idx.msk $0xffff, v18  }
0x3c: {  	v19 =	vor.u32 v7, v16;
	v18 =	vld.idx.msk [tilespmem:v20+s0+$0x0], $0xffff  }
0x3d: {  	v20 =	vor.u32 v8, v17;
	_ =	sdelay $0x3  }
0x3e: {  	[tilespmem:v19+s1+$0x0] =	vst.idx.msk $0xffff, v18  }
0x3f: {  	v19 =	vor.u32 v9, v16;
	v18 =	vld.idx.msk [tilespmem:v20+s0+$0x0], $0xffff  }
0x40: {  	v20 =	vor.u32 v10, v17;
	_ =	sdelay $0x3  }
0x41: {  	[tilespmem:v19+s1+$0x0] =	vst.idx.msk $0xffff, v18  }
0x42: {  	v19 =	vor.u32 v11, v16;
	v18 =	vld.idx.msk [tilespmem:v20+s0+$0x0], $0xffff  }
0x43: {  	v20 =	vor.u32 v12, v17;
	_ =	sdelay $0x3  }
0x44: {  	[tilespmem:v19+s1+$0x0] =	vst.idx.msk $0xffff, v18  }
0x45: {  	v19 =	vor.u32 v13, v16;
	v18 =	vld.idx.msk [tilespmem:v20+s0+$0x0], $0xffff  }
0x46: {  	v20 =	vor.u32 v14, v17;
	_ =	sdelay $0x3  }
0x47: {  	s13 =	simm.s32 $0x1;
	[tilespmem:v19+s1+$0x0] =	vst.idx.msk $0xffff, v18  }
0x48: {  	s12 =	sshll.u32 s31, $0xE;
	v17 =	vadd.s32 s13, v0;
	s13 =	simm.s32 $0x2;
	v18 =	vld.idx.msk [tilespmem:v20+s0+$0x0], $0xffff  }
.LBB2_3:
0x49: {  	p0 =	sne.s32 s13, $0x1F;
	v19 =	vand.u32 $0x1F, v17;
	v16 =	vor.u32 v15, v16  }
0x4a: {  	v20 =	vor.u32 v1, v19;
	_ =	sdelay $0x3  }
0x4b: {  	v17 =	vshll.u32 v17, $0x7;
	[tilespmem:v16+s1+$0x0] =	vst.idx.msk $0xffff, v18  }
0x4c: {  	v16 =	vand.u32 $0xF80, v17;
	v18 =	vld.idx.msk [tilespmem:v20+s0+$0x0], $0xffff  }
0x4d: {  	v17 =	vor.u32 v0, v16  }
0x4e: {  	v20 =	vor.u32 v2, v19;
	_ =	sdelay $0x3  }
0x4f: {  	[tilespmem:v17+s1+$0x0] =	vst.idx.msk $0xffff, v18  }
0x50: {  	v17 =	vld.idx.msk [tilespmem:v20+s0+$0x0], $0xffff  }
0x51: {  	v18 =	vor.u32 v3, v16  }
0x52: {  	v20 =	vor.u32 v4, v19;
	_ =	sdelay $0x3  }
0x53: {  	[tilespmem:v18+s1+$0x0] =	vst.idx.msk $0xffff, v17  }
0x54: {  	v17 =	vld.idx.msk [tilespmem:v20+s0+$0x0], $0xffff  }
0x55: {  	v18 =	vor.u32 v5, v16  }
0x56: {  	v20 =	vor.u32 v6, v19;
	_ =	sdelay $0x3  }
0x57: {  	[tilespmem:v18+s1+$0x0] =	vst.idx.msk $0xffff, v17  }
0x58: {  	v17 =	vld.idx.msk [tilespmem:v20+s0+$0x0], $0xffff  }
0x59: {  	v18 =	vor.u32 v7, v16  }
0x5a: {  	v20 =	vor.u32 v8, v19;
	_ =	sdelay $0x3  }
0x5b: {  	[tilespmem:v18+s1+$0x0] =	vst.idx.msk $0xffff, v17  }
0x5c: {  	v17 =	vld.idx.msk [tilespmem:v20+s0+$0x0], $0xffff  }
0x5d: {  	v18 =	vor.u32 v9, v16  }
0x5e: {  	v20 =	vor.u32 v10, v19;
	_ =	sdelay $0x3  }
0x5f: {  	[tilespmem:v18+s1+$0x0] =	vst.idx.msk $0xffff, v17  }
0x60: {  	v17 =	vld.idx.msk [tilespmem:v20+s0+$0x0], $0xffff  }
0x61: {  	v18 =	vor.u32 v11, v16  }
0x62: {  	v20 =	vor.u32 v12, v19;
	_ =	sdelay $0x3  }
0x63: {  	[tilespmem:v18+s1+$0x0] =	vst.idx.msk $0xffff, v17  }
0x64: {  	v17 =	vld.idx.msk [tilespmem:v20+s0+$0x0], $0xffff  }
0x65: {  	v18 =	vor.u32 v13, v16  }
0x66: {  	v19 =	vor.u32 v14, v19  }
.Ltmp0:
0x67: {  	(pc) =	sbr.rel @p0 .LBB2_3-.Ltmp0, $3  }
0x68: {  	_ =	sdelay $0x1  }
0x69: {  	[tilespmem:v18+s1+$0x0] =	vst.idx.msk $0xffff, v17  }
0x6a: {  	v17 =	vadd.s32 s13, v0;
	s13 =	sadd.s32 $0x1, s13;
	v18 =	vld.idx.msk [tilespmem:v19+s0+$0x0], $0xffff  }
0x6b: {  	v19 =	vand.u32 $0x1F, v17;
	v16 =	vor.u32 v15, v16  }
0x6c: {  	v20 =	vor.u32 v1, v19;
	_ =	sdelay $0x2  }
0x6d: {  	v17 =	vshll.u32 v17, $0x7  }
0x6e: {  	[tilespmem:v16+s1+$0x0] =	vst.idx.msk $0xffff, v18;
	v16 =	vand.u32 $0xF80, v17  }
0x6f: {  	v17 =	vld.idx.msk [tilespmem:v20+s0+$0x0], $0xffff;
	v51 =	vor.u32 v0, v16  }
0x70: {  	v52 =	vor.u32 v2, v19;
	_ =	sdelay $0x3  }
0x71: {  	[tilespmem:v51+s1+$0x0] =	vst.idx.msk $0xffff, v17  }
0x72: {  	v53 =	vor.u32 v3, v16;
	v17 =	vld.idx.msk [tilespmem:v52+s0+$0x0], $0xffff  }
0x73: {  	v54 =	vor.u32 v4, v19;
	_ =	sdelay $0x3  }
0x74: {  	[tilespmem:v53+s1+$0x0] =	vst.idx.msk $0xffff, v17  }
0x75: {  	v55 =	vor.u32 v5, v16;
	v17 =	vld.idx.msk [tilespmem:v54+s0+$0x0], $0xffff  }
0x76: {  	v56 =	vor.u32 v6, v19;
	_ =	sdelay $0x3  }
0x77: {  	[tilespmem:v55+s1+$0x0] =	vst.idx.msk $0xffff, v17  }
0x78: {  	v57 =	vor.u32 v7, v16;
	v17 =	vld.idx.msk [tilespmem:v56+s0+$0x0], $0xffff  }
0x79: {  	v58 =	vor.u32 v8, v19;
	_ =	sdelay $0x3  }
0x7a: {  	[tilespmem:v57+s1+$0x0] =	vst.idx.msk $0xffff, v17  }
0x7b: {  	v59 =	vor.u32 v9, v16;
	v17 =	vld.idx.msk [tilespmem:v58+s0+$0x0], $0xffff  }
0x7c: {  	v60 =	vor.u32 v10, v19;
	_ =	sdelay $0x3  }
0x7d: {  	[tilespmem:v59+s1+$0x0] =	vst.idx.msk $0xffff, v17  }
0x7e: {  	v61 =	vor.u32 v11, v16;
	v17 =	vld.idx.msk [tilespmem:v60+s0+$0x0], $0xffff  }
0x7f: {  	v62 =	vor.u32 v12, v19;
	_ =	sdelay $0x3  }
0x80: {  	[tilespmem:v61+s1+$0x0] =	vst.idx.msk $0xffff, v17  }
0x81: {  	v63 =	vor.u32 v13, v16;
	v17 =	vld.idx.msk [tilespmem:v62+s0+$0x0], $0xffff  }
0x82: {  	v19 =	vor.u32 v14, v19;
	_ =	sdelay $0x3  }
0x83: {  	[tilespmem:v63+s1+$0x0] =	vst.idx.msk $0xffff, v17  }
0x84: {  	s31 =	sadd.s32 $0x1, s31;
	v16 =	vor.u32 v15, v16;
	v17 =	vld.idx.msk [tilespmem:v19+s0+$0x0], $0xffff  }
0x85: {  	p0 =	sne.s32 s31, $0x68  }
.Ltmp1:
0x86: {  	_ = 	snop;
	(pc) =	sbr.rel @p0 .LBB2_2-.Ltmp1, $4  }
0x87: {  	s13 =	sand.u32 $0x1F0000, s12;
	s9 =	sshll.u32 s9, $0x7  }
0x88: {  	s9 =	sor.u32 s6, s9;
	s0 =	sadd.s32 s2, s13  }
0x89: {  	s0 =	sadd.s32 s0, s9;
	[tilespmem:v16+s1+$0x0] =	vst.idx.msk $0xffff, v17  }
0x8a: {  	[hbm4b:s0+s28] =	stream.strided.scatter [tilespmem:s1], [sflag:$0x2], $0x1000, s29, s28, $0x38;
	[tilespmem:$0x17400] =	vst v63  }
0x8b: {  	_ =	swait.ge [sflag:s26], $0x1000  }
0x8c: {  	[sflag:s26] =	ssyncset.done $0x0  }
0x8d: {  	[sflag:s26] =	ssyncadd.s32 $0xFFFFF000  }
0x8e: {  	_ =	swait.ge [sflag:s26], $0x1000  }
0x8f: {  	[sflag:s26] =	ssyncset.done $0x0  }
0x90: {  	s30 =	sadd.s32 $0x1, s30;
	[sflag:s26] =	ssyncadd.s32 $0xFFFFF000  }
0x91: {  	p0 =	sne.s32 s30, s7;
	_ =	swait.ge [sflag:s26], $0x1000  }
.Ltmp2:
0x92: {  	[sflag:s26] =	ssyncset.done $0x0;
	(pc) =	sbr.rel @p0 .LBB2_1-.Ltmp2, $4  }
0x93: {  	[sflag:s26] =	ssyncadd.s32 $0xFFFFF000  }
0x94: {  	_ =	swait.ge [sflag:s26], $0x1000  }
0x95: {  	[sflag:s26] =	ssyncset.done $0x0  }
0x96: {  	[sflag:s26] =	ssyncadd.s32 $0xFFFFF000  }
0x97: {  	_ =	sfence.sel $0x180000  }
0x98: {  	[bflag:$0x0] =	sbarrier.arrive $0xFFFF  }
0x99: {  	_ =	strace $0x90000047  }
0x9a: {  	s0 =	stileid.u32;
	[bflag:$0x2] =	sbarrier.arrive $0xFFFF  }
0x9b: {  	p0 =	sne.s32 s0, $0x0;
	s0 =	rddreg [dreg:$0x2]  }
0x9c: {  	s0 =	sadd.s32 @!p0 $0x100000, s0  }
0x9d: {  	[sflag:s0] =	ssyncadd.tile.s32 @!p0 $0x1;
	_ =	shalt  }
.Lfunc_end2:
_tile_overlayer_lowered:
.L_overlay_start_2:
0x9e: {  	(tag) =	ssettag $0x2  }
0x9f: {  	s0 =	rddreg [dreg:$0x0];
	s2 =	stileid.u32  }
0xa0: {  	s1 =	rddreg [dreg:$0x1];
	p0 =	sne.s32 s2, $0x0  }
0xa1: {  	s3 =	rddreg [dreg:$0x2];
	[bflag:$0x3] =	sbarrier.arrive $0xFFFF;
	s2 =	simm.s32 @!p0 $0x1C03  }
0xa2: {  	[timem:s3], [sflag:s2] =	dma.local @!p0 [hbm:s0], s1  }
0xa3: {  	s0 =	simm.s32 @!p0 $0x3  }
0xa4: {  	_ =	swait.ge @!p0 [sflag:s0], s1  }
0xa5: {  	s1 =	ssub.s32 @!p0 $0x0, s1;
	[sflag:s0] =	ssyncset.done @!p0 $0x0  }
0xa6: {  	[sflag:s0] =	ssyncadd.s32 @!p0 s1  }
0xa7: {  	[bflag:$0x3] =	sbarrier.arrive $0xFFFF  }
0xa8: {  	_ =	shalt  }

</sc_bundles>
